<compile_context>
chip_gen: v7x
topology: tpu7x:2x2x1
jax: 0.10.2.dev20260603
libtpu: 0.0.44.dev20260713+nightly
codegen_flags: <defaults>
</compile_context>

<pallas_src>
import jax
import jax.numpy as jnp
from jax import lax
from jax.experimental import pallas as pl
from jax.experimental.pallas import tpu as pltpu
from jax.experimental.pallas import tpu_sc as plsc

_SUPPORT = 300
_EPS = 1e-3
_K = 601
_N = 131072
_NW = 32
_CPW = _N // _NW
_C = 128
_NBLK = _CPW // _C


def _sqrt1p(ax):
    bits = plsc.bitcast(ax, jnp.int32)
    y = plsc.bitcast(jnp.int32(0x5F3759DF) - (bits >> 1), jnp.float32)
    for _ in range(3):
        y = y * (1.5 - 0.5 * ax * y * y)
    return ax * y


def _encode16(xv):
    s = jnp.sign(xv) * (_sqrt1p(jnp.abs(xv) + 1.0) - 1.0) + _EPS * xv
    xc = jnp.minimum(jnp.maximum(s, -float(_SUPPORT)), float(_SUPPORT))
    u = xc + float(_SUPPORT)
    g = jnp.minimum(u.astype(jnp.int32), _K - 2)
    ud = u - g.astype(jnp.float32)
    ld = 1.0 - ud
    return g, ld, ud


def _sc_body(x_hbm, out_hbm, x_v, buf, gsave):
    nc = 2
    wid = lax.axis_index("s") * nc + lax.axis_index("c")
    col0 = wid * _CPW
    lanes = lax.iota(jnp.int32, 16)
    zeros = jnp.zeros((16,), jnp.float32)

    pltpu.sync_copy(x_hbm.at[pl.ds(col0, _CPW)], x_v)

    def _zero_row(r, _):
        for c in range(_C // 16):
            buf[r, pl.ds(c * 16, 16)] = zeros
        return 0

    lax.fori_loop(0, _K, _zero_row, 0)

    def _block(blk, _):
        for j in range(_C // 16):
            xv = x_v[pl.ds(blk * _C + j * 16, 16)]
            g, ld, ud = _encode16(xv)
            cols = j * 16 + lanes
            plsc.store_scatter(buf, [g, cols], ld)
            plsc.store_scatter(buf, [g + 1, cols], ud)
            gsave[j] = g
        pltpu.sync_copy(buf, out_hbm.at[:, pl.ds(col0 + blk * _C, _C)])
        for j in range(_C // 16):
            g = gsave[j]
            cols = j * 16 + lanes
            plsc.store_scatter(buf, [g, cols], zeros)
            plsc.store_scatter(buf, [g + 1, cols], zeros)
        return 0

    lax.fori_loop(0, _NBLK, _block, 0)


def kernel(x, atom_vector):
    mesh = plsc.VectorSubcoreMesh(core_axis_name="c", subcore_axis_name="s")
    f = pl.kernel(
        _sc_body,
        mesh=mesh,
        out_type=jax.ShapeDtypeStruct((_K, _N), jnp.float32),
        scratch_types=[
            pltpu.VMEM((_CPW,), jnp.float32),
            pltpu.VMEM((_K, _C), jnp.float32),
            pltpu.VMEM((_C // 16, 16), jnp.int32),
        ],
        compiler_params=pltpu.CompilerParams(
            needs_layout_passes=False, use_tc_tiling_on_sc=True
        ),
    )
    return f(x).T

# --- scband reference (transcript-rebuilt; emitter-appended) ---
"""Pipeline reference for scband-rvtran-64347200029049 (READ-ONLY COPY).

The authoritative reference and input builder live on the scoring server;
editing this copy changes nothing except your own understanding.
"""

import jax, jax.numpy as jnp
import numpy as np

SUPPORT = 300
EPS = 1e-3


def setup_inputs(seed: int = 0) -> dict:
    key = jax.random.key(seed)
    x = jax.random.normal(key, (131072,), dtype=jnp.float32)
    # buffer: atom_vector = arange(-support, support+1) for enc_type=3
    atom_vector = jnp.arange(-SUPPORT, SUPPORT + 1, dtype=jnp.float32)
    return {"x": x, "atom_vector": atom_vector}


def _encode_s(x):
    # enc_f_type == 0 branch
    return jnp.sign(x) * (jnp.sqrt(jnp.abs(x) + 1.0) - 1.0) + EPS * x


def _vector_enc(x, atom_vector):
    K = atom_vector.shape[0]
    xc = jnp.clip(x, atom_vector[0], atom_vector[-1])
    # (atom_vector.unsqueeze(0) < x.unsqueeze(-1)).sum(-1) - 1
    gt = jnp.sum((atom_vector[None, :] < xc[:, None]).astype(jnp.int32), axis=-1) - 1
    gt = jnp.clip(gt, 0, K - 2)
    lower = atom_vector[gt]
    upper = atom_vector[gt + 1]
    lower_density = (upper - xc) / (upper - lower)
    upper_density = 1.0 - lower_density
    N = xc.shape[0]
    rows = jnp.arange(N)
    enc = jnp.zeros((N, K), dtype=jnp.float32)
    enc = enc.at[rows, gt].set(lower_density)
    enc = enc.at[rows, gt + 1].set(upper_density)
    return enc


def reference(x, atom_vector):
    # enc_type == 3: scalar squash encode, then two-hot vector encode
    enc_s = _encode_s(x)
    return _vector_enc(enc_s, atom_vector)

if __name__ == "__main__":
    import jax
    _d = setup_inputs()
    print(jax.jit(kernel)(*tuple(_d.values())))

</pallas_src>

<mosaic_0001>
#map = affine_map<(d0, d1) -> (0)>
#map1 = affine_map<(d0, d1) -> (0, 0)>
module attributes {stable_mosaic.version = 14 : i64} {
  func.func @_sc_body(%arg0: i32, %arg1: i32, %arg2: memref<131072xf32, #tpu.memory_space<hbm>>, %arg3: memref<601x131072xf32, #tpu.memory_space<hbm>>, %arg4: memref<4096xf32, #tpu.memory_space<vmem>>, %arg5: memref<601x128xf32, #tpu.memory_space<vmem>>, %arg6: memref<8x16xi32, #tpu.memory_space<vmem>>) attributes {dimension_semantics = [#tpu.dimension_semantics<core_parallel>, #tpu.dimension_semantics<subcore_parallel>], iteration_bounds = array<i64: 2, 16>, scalar_prefetch = 0 : i64, scratch_operands = 3 : i64, tpu.core_type = #tpu.core_type<sc_vector_subcore>, window_params = [{transform_indices = #map}, {transform_indices = #map1}]} {
    %mul3A = arith.constant 2 : i32
    %mul3A_0 = arith.muli %arg1, %mul3A : i32
    %add3A = arith.addi %mul3A_0, %arg0 : i32
    %mul3A_1 = arith.constant 4096 : i32
    %mul3A_2 = arith.muli %add3A, %mul3A_1 : i32
    %iota3A = tpu.iota {dimensions = array<i32: 0>} : vector<16xi32>
    %broadcast_in_dim3A = arith.constant 0.000000e+00 : f32
    %broadcast_in_dim3A_3 = vector.broadcast %broadcast_in_dim3A : f32 to vector<16xf32>
    "tpu.region"() ({
      %run_scoped3A = tpu.sem_alloc : memref<!tpu.dma_semaphore, #tpu.memory_space<semaphore_mem>>
      %dma_start3A = tpu.memref_slice %arg2[%mul3A_2] : memref<131072xf32, #tpu.memory_space<hbm>> -> memref<4096xf32, #tpu.memory_space<hbm>>
      %dma_start3A_17 = tpu.memref_slice %arg2[%mul3A_2] : memref<131072xf32, #tpu.memory_space<hbm>> -> memref<4096xf32, #tpu.memory_space<hbm>>
      tpu.enqueue_dma source(%dma_start3A_17 : memref<4096xf32, #tpu.memory_space<hbm>>) target(%arg4 : memref<4096xf32, #tpu.memory_space<vmem>>) target_semaphore(%run_scoped3A : memref<!tpu.dma_semaphore, #tpu.memory_space<semaphore_mem>>)
      %dma_wait3A = tpu.memref_slice %arg2[%mul3A_2] : memref<131072xf32, #tpu.memory_space<hbm>> -> memref<4096xf32, #tpu.memory_space<hbm>>
      %dma_wait3A_18 = tpu.memref_slice %arg2[%mul3A_2] : memref<131072xf32, #tpu.memory_space<hbm>> -> memref<4096xf32, #tpu.memory_space<hbm>>
      tpu.wait_dma2 semaphore(%run_scoped3A : memref<!tpu.dma_semaphore, #tpu.memory_space<semaphore_mem>>) src(%dma_wait3A_18 : memref<4096xf32, #tpu.memory_space<hbm>>) dst(%arg4 : memref<4096xf32, #tpu.memory_space<vmem>>)
      tpu.yield
    }) : () -> ()
    %scan3A = arith.constant 0 : i32
    %scan3A_4 = arith.constant 0 : i32
    %scan3A_5 = arith.constant 601 : i32
    %scan3A_6 = arith.addi %scan3A_4, %scan3A_5 : i32
    %scan3A_7 = arith.constant 1 : i32
    %scan3A_8 = scf.for %scan3A_17 = %scan3A_4 to %scan3A_6 step %scan3A_7 iter_args(%scan3A_18 = %scan3A) -> (i32)  : i32 {
      %swap3A = arith.index_cast %scan3A_17 : i32 to index
      %swap3A_19 = arith.constant 0 : index
      %swap3A_20 = tpu.vector_load %arg5[%swap3A, %swap3A_19] {strides = array<i32>} : memref<601x128xf32, #tpu.memory_space<vmem>>, vector<16xf32>,
      tpu.vector_store %arg5[%swap3A, %swap3A_19], %broadcast_in_dim3A_3 {strides = array<i32>} : memref<601x128xf32, #tpu.memory_space<vmem>>, vector<16xf32>,
      %swap3A_21 = arith.index_cast %scan3A_17 : i32 to index
      %swap3A_22 = arith.constant 16 : index
      %swap3A_23 = tpu.vector_load %arg5[%swap3A_21, %swap3A_22] {strides = array<i32>} : memref<601x128xf32, #tpu.memory_space<vmem>>, vector<16xf32>,
      tpu.vector_store %arg5[%swap3A_21, %swap3A_22], %broadcast_in_dim3A_3 {strides = array<i32>} : memref<601x128xf32, #tpu.memory_space<vmem>>, vector<16xf32>,
      %swap3A_24 = arith.index_cast %scan3A_17 : i32 to index
      %swap3A_25 = arith.constant 32 : index
      %swap3A_26 = tpu.vector_load %arg5[%swap3A_24, %swap3A_25] {strides = array<i32>} : memref<601x128xf32, #tpu.memory_space<vmem>>, vector<16xf32>,
      tpu.vector_store %arg5[%swap3A_24, %swap3A_25], %broadcast_in_dim3A_3 {strides = array<i32>} : memref<601x128xf32, #tpu.memory_space<vmem>>, vector<16xf32>,
      %swap3A_27 = arith.index_cast %scan3A_17 : i32 to index
      %swap3A_28 = arith.constant 48 : index
      %swap3A_29 = tpu.vector_load %arg5[%swap3A_27, %swap3A_28] {strides = array<i32>} : memref<601x128xf32, #tpu.memory_space<vmem>>, vector<16xf32>,
      tpu.vector_store %arg5[%swap3A_27, %swap3A_28], %broadcast_in_dim3A_3 {strides = array<i32>} : memref<601x128xf32, #tpu.memory_space<vmem>>, vector<16xf32>,
      %swap3A_30 = arith.index_cast %scan3A_17 : i32 to index
      %swap3A_31 = arith.constant 64 : index
      %swap3A_32 = tpu.vector_load %arg5[%swap3A_30, %swap3A_31] {strides = array<i32>} : memref<601x128xf32, #tpu.memory_space<vmem>>, vector<16xf32>,
      tpu.vector_store %arg5[%swap3A_30, %swap3A_31], %broadcast_in_dim3A_3 {strides = array<i32>} : memref<601x128xf32, #tpu.memory_space<vmem>>, vector<16xf32>,
      %swap3A_33 = arith.index_cast %scan3A_17 : i32 to index
      %swap3A_34 = arith.constant 80 : index
      %swap3A_35 = tpu.vector_load %arg5[%swap3A_33, %swap3A_34] {strides = array<i32>} : memref<601x128xf32, #tpu.memory_space<vmem>>, vector<16xf32>,
      tpu.vector_store %arg5[%swap3A_33, %swap3A_34], %broadcast_in_dim3A_3 {strides = array<i32>} : memref<601x128xf32, #tpu.memory_space<vmem>>, vector<16xf32>,
      %swap3A_36 = arith.index_cast %scan3A_17 : i32 to index
      %swap3A_37 = arith.constant 96 : index
      %swap3A_38 = tpu.vector_load %arg5[%swap3A_36, %swap3A_37] {strides = array<i32>} : memref<601x128xf32, #tpu.memory_space<vmem>>, vector<16xf32>,
      tpu.vector_store %arg5[%swap3A_36, %swap3A_37], %broadcast_in_dim3A_3 {strides = array<i32>} : memref<601x128xf32, #tpu.memory_space<vmem>>, vector<16xf32>,
      %swap3A_39 = arith.index_cast %scan3A_17 : i32 to index
      %swap3A_40 = arith.constant 112 : index
      %swap3A_41 = tpu.vector_load %arg5[%swap3A_39, %swap3A_40] {strides = array<i32>} : memref<601x128xf32, #tpu.memory_space<vmem>>, vector<16xf32>,
      tpu.vector_store %arg5[%swap3A_39, %swap3A_40], %broadcast_in_dim3A_3 {strides = array<i32>} : memref<601x128xf32, #tpu.memory_space<vmem>>, vector<16xf32>,
      %scan3A_42 = arith.constant 0 : i32
      scf.yield %scan3A_42 : i32
    }
    %scan3A_9 = arith.constant 601 : i32
    %scan3A_10 = arith.constant 0 : i32
    %scan3A_11 = arith.constant 0 : i32
    %scan3A_12 = arith.constant 32 : i32
    %scan3A_13 = arith.addi %scan3A_11, %scan3A_12 : i32
    %scan3A_14 = arith.constant 1 : i32
    %scan3A_15 = scf.for %scan3A_17 = %scan3A_11 to %scan3A_13 step %scan3A_14 iter_args(%scan3A_18 = %scan3A_10) -> (i32)  : i32 {
      %mul3A_19 = arith.constant 128 : i32
      %mul3A_20 = arith.muli %scan3A_17, %mul3A_19 : i32
      %add3A_21 = arith.constant 0 : i32
      %add3A_22 = arith.addi %mul3A_20, %add3A_21 : i32
      %get3A = arith.index_cast %add3A_22 : i32 to index
      %get3A_23 = tpu.vector_load %arg4[%get3A] {strides = array<i32>} : memref<4096xf32, #tpu.memory_space<vmem>>, vector<16xf32>,
      %sign3A = tpu.bitcast %get3A_23 : vector<16xf32> -> vector<16xi32>
      %sign3A_24 = arith.constant -2147483648 : i32
      %sign3A_25 = vector.broadcast %sign3A_24 : i32 to vector<16xi32>
      %sign3A_26 = arith.andi %sign3A, %sign3A_25 : vector<16xi32>
      %sign3A_27 = arith.constant 1065353216 : i32
      %sign3A_28 = vector.broadcast %sign3A_27 : i32 to vector<16xi32>
      %sign3A_29 = arith.ori %sign3A_28, %sign3A_26 : vector<16xi32>
      %sign3A_30 = tpu.bitcast %sign3A_29 : vector<16xi32> -> vector<16xf32>
      %sign3A_31 = math.absf %get3A_23 : vector<16xf32>
      %sign3A_32 = arith.constant 0.000000e+00 : f32
      %sign3A_33 = vector.broadcast %sign3A_32 : f32 to vector<16xf32>
      %sign3A_34 = arith.cmpf ogt, %sign3A_31, %sign3A_33 : vector<16xf32>
      %sign3A_35 = arith.select %sign3A_34, %sign3A_30, %get3A_23 : vector<16xi1>, vector<16xf32>
      %abs3A = math.absf %get3A_23 : vector<16xf32>
      %add3A_36 = arith.constant 1.000000e+00 : f32
      %add3A_37 = vector.broadcast %add3A_36 : f32 to vector<16xf32>
      %add3A_38 = arith.addf %abs3A, %add3A_37 : vector<16xf32>
      %bitcast3A = vector.bitcast %add3A_38 : vector<16xf32> to vector<16xi32>
      %shift_right_arithmetic3A = arith.constant 1 : i32
      %shift_right_arithmetic3A_39 = vector.broadcast %shift_right_arithmetic3A : i32 to vector<16xi32>
      %shift_right_arithmetic3A_40 = arith.shrsi %bitcast3A, %shift_right_arithmetic3A_39 : vector<16xi32>
      %sub3A = arith.constant 1597463007 : i32
      %sub3A_41 = vector.broadcast %sub3A : i32 to vector<16xi32>
      %sub3A_42 = arith.subi %sub3A_41, %shift_right_arithmetic3A_40 : vector<16xi32>
      %bitcast3A_43 = vector.bitcast %sub3A_42 : vector<16xi32> to vector<16xf32>
      %mul3A_44 = arith.constant 5.000000e-01 : f32
      %mul3A_45 = vector.broadcast %mul3A_44 : f32 to vector<16xf32>
      %mul3A_46 = arith.mulf %mul3A_45, %add3A_38 : vector<16xf32>
      %mul3A_47 = arith.mulf %mul3A_46, %bitcast3A_43 : vector<16xf32>
      %mul3A_48 = arith.mulf %mul3A_47, %bitcast3A_43 : vector<16xf32>
      %sub3A_49 = arith.constant 1.500000e+00 : f32
      %sub3A_50 = vector.broadcast %sub3A_49 : f32 to vector<16xf32>
      %sub3A_51 = arith.subf %sub3A_50, %mul3A_48 : vector<16xf32>
      %mul3A_52 = arith.mulf %bitcast3A_43, %sub3A_51 : vector<16xf32>
      %mul3A_53 = arith.constant 5.000000e-01 : f32
      %mul3A_54 = vector.broadcast %mul3A_53 : f32 to vector<16xf32>
      %mul3A_55 = arith.mulf %mul3A_54, %add3A_38 : vector<16xf32>
      %mul3A_56 = arith.mulf %mul3A_55, %mul3A_52 : vector<16xf32>
      %mul3A_57 = arith.mulf %mul3A_56, %mul3A_52 : vector<16xf32>
      %sub3A_58 = arith.constant 1.500000e+00 : f32
      %sub3A_59 = vector.broadcast %sub3A_58 : f32 to vector<16xf32>
      %sub3A_60 = arith.subf %sub3A_59, %mul3A_57 : vector<16xf32>
      %mul3A_61 = arith.mulf %mul3A_52, %sub3A_60 : vector<16xf32>
      %mul3A_62 = arith.constant 5.000000e-01 : f32
      %mul3A_63 = vector.broadcast %mul3A_62 : f32 to vector<16xf32>
      %mul3A_64 = arith.mulf %mul3A_63, %add3A_38 : vector<16xf32>
      %mul3A_65 = arith.mulf %mul3A_64, %mul3A_61 : vector<16xf32>
      %mul3A_66 = arith.mulf %mul3A_65, %mul3A_61 : vector<16xf32>
      %sub3A_67 = arith.constant 1.500000e+00 : f32
      %sub3A_68 = vector.broadcast %sub3A_67 : f32 to vector<16xf32>
      %sub3A_69 = arith.subf %sub3A_68, %mul3A_66 : vector<16xf32>
      %mul3A_70 = arith.mulf %mul3A_61, %sub3A_69 : vector<16xf32>
      %mul3A_71 = arith.mulf %add3A_38, %mul3A_70 : vector<16xf32>
      %sub3A_72 = arith.constant 1.000000e+00 : f32
      %sub3A_73 = vector.broadcast %sub3A_72 : f32 to vector<16xf32>
      %sub3A_74 = arith.subf %mul3A_71, %sub3A_73 : vector<16xf32>
      %mul3A_75 = arith.mulf %sign3A_35, %sub3A_74 : vector<16xf32>
      %mul3A_76 = arith.constant 1.000000e-03 : f32
      %mul3A_77 = vector.broadcast %mul3A_76 : f32 to vector<16xf32>
      %mul3A_78 = arith.mulf %mul3A_77, %get3A_23 : vector<16xf32>
      %add3A_79 = arith.addf %mul3A_75, %mul3A_78 : vector<16xf32>
      %max3A = arith.constant -3.000000e+02 : f32
      %max3A_80 = vector.broadcast %max3A : f32 to vector<16xf32>
      %max3A_81 = arith.maximumf %add3A_79, %max3A_80 : vector<16xf32>
      %min3A = arith.constant 3.000000e+02 : f32
      %min3A_82 = vector.broadcast %min3A : f32 to vector<16xf32>
      %min3A_83 = arith.minimumf %max3A_81, %min3A_82 : vector<16xf32>
      %add3A_84 = arith.constant 3.000000e+02 : f32
      %add3A_85 = vector.broadcast %add3A_84 : f32 to vector<16xf32>
      %add3A_86 = arith.addf %min3A_83, %add3A_85 : vector<16xf32>
      %convert_element_type3A = arith.fptosi %add3A_86 : vector<16xf32> to vector<16xi32>
      %min3A_87 = arith.constant 599 : i32
      %min3A_88 = vector.broadcast %min3A_87 : i32 to vector<16xi32>
      %min3A_89 = arith.minsi %convert_element_type3A, %min3A_88 : vector<16xi32>
      %convert_element_type3A_90 = arith.sitofp %min3A_89 : vector<16xi32> to vector<16xf32>
      %sub3A_91 = arith.subf %add3A_86, %convert_element_type3A_90 : vector<16xf32>
      %sub3A_92 = arith.constant 1.000000e+00 : f32
      %sub3A_93 = vector.broadcast %sub3A_92 : f32 to vector<16xf32>
      %sub3A_94 = arith.subf %sub3A_93, %sub3A_91 : vector<16xf32>
      %add3A_95 = arith.constant 0 : i32
      %add3A_96 = vector.broadcast %add3A_95 : i32 to vector<16xi32>
      %add3A_97 = arith.addi %add3A_96, %iota3A : vector<16xi32>
      tpu.vector_store_idx %arg5[%min3A_89, %add3A_97], %sub3A_94 : memref<601x128xf32, #tpu.memory_space<vmem>>[vector<16xi32>, vector<16xi32>], vector<16xf32>,
      %add3A_98 = arith.constant 1 : i32
      %add3A_99 = vector.broadcast %add3A_98 : i32 to vector<16xi32>
      %add3A_100 = arith.addi %min3A_89, %add3A_99 : vector<16xi32>
      tpu.vector_store_idx %arg5[%add3A_100, %add3A_97], %sub3A_91 : memref<601x128xf32, #tpu.memory_space<vmem>>[vector<16xi32>, vector<16xi32>], vector<16xf32>,
      %swap3A = arith.constant 0 : i32
      %swap3A_101 = arith.index_cast %swap3A : i32 to index
      %swap3A_102 = arith.constant 0 : index
      %swap3A_103 = tpu.vector_load %arg6[%swap3A_101, %swap3A_102] {strides = array<i32>} : memref<8x16xi32, #tpu.memory_space<vmem>>, vector<16xi32>,
      tpu.vector_store %arg6[%swap3A_101, %swap3A_102], %min3A_89 {strides = array<i32>} : memref<8x16xi32, #tpu.memory_space<vmem>>, vector<16xi32>,
      %mul3A_104 = arith.constant 128 : i32
      %mul3A_105 = arith.muli %scan3A_17, %mul3A_104 : i32
      %add3A_106 = arith.constant 16 : i32
      %add3A_107 = arith.addi %mul3A_105, %add3A_106 : i32
      %get3A_108 = arith.index_cast %add3A_107 : i32 to index
      %get3A_109 = tpu.vector_load %arg4[%get3A_108] {strides = array<i32>} : memref<4096xf32, #tpu.memory_space<vmem>>, vector<16xf32>,
      %sign3A_110 = tpu.bitcast %get3A_109 : vector<16xf32> -> vector<16xi32>
      %sign3A_111 = arith.constant -2147483648 : i32
      %sign3A_112 = vector.broadcast %sign3A_111 : i32 to vector<16xi32>
      %sign3A_113 = arith.andi %sign3A_110, %sign3A_112 : vector<16xi32>
      %sign3A_114 = arith.constant 1065353216 : i32
      %sign3A_115 = vector.broadcast %sign3A_114 : i32 to vector<16xi32>
      %sign3A_116 = arith.ori %sign3A_115, %sign3A_113 : vector<16xi32>
      %sign3A_117 = tpu.bitcast %sign3A_116 : vector<16xi32> -> vector<16xf32>
      %sign3A_118 = math.absf %get3A_109 : vector<16xf32>
      %sign3A_119 = arith.constant 0.000000e+00 : f32
      %sign3A_120 = vector.broadcast %sign3A_119 : f32 to vector<16xf32>
      %sign3A_121 = arith.cmpf ogt, %sign3A_118, %sign3A_120 : vector<16xf32>
      %sign3A_122 = arith.select %sign3A_121, %sign3A_117, %get3A_109 : vector<16xi1>, vector<16xf32>
      %abs3A_123 = math.absf %get3A_109 : vector<16xf32>
      %add3A_124 = arith.constant 1.000000e+00 : f32
      %add3A_125 = vector.broadcast %add3A_124 : f32 to vector<16xf32>
      %add3A_126 = arith.addf %abs3A_123, %add3A_125 : vector<16xf32>
      %bitcast3A_127 = vector.bitcast %add3A_126 : vector<16xf32> to vector<16xi32>
      %shift_right_arithmetic3A_128 = arith.constant 1 : i32
      %shift_right_arithmetic3A_129 = vector.broadcast %shift_right_arithmetic3A_128 : i32 to vector<16xi32>
      %shift_right_arithmetic3A_130 = arith.shrsi %bitcast3A_127, %shift_right_arithmetic3A_129 : vector<16xi32>
      %sub3A_131 = arith.constant 1597463007 : i32
      %sub3A_132 = vector.broadcast %sub3A_131 : i32 to vector<16xi32>
      %sub3A_133 = arith.subi %sub3A_132, %shift_right_arithmetic3A_130 : vector<16xi32>
      %bitcast3A_134 = vector.bitcast %sub3A_133 : vector<16xi32> to vector<16xf32>
      %mul3A_135 = arith.constant 5.000000e-01 : f32
      %mul3A_136 = vector.broadcast %mul3A_135 : f32 to vector<16xf32>
      %mul3A_137 = arith.mulf %mul3A_136, %add3A_126 : vector<16xf32>
      %mul3A_138 = arith.mulf %mul3A_137, %bitcast3A_134 : vector<16xf32>
      %mul3A_139 = arith.mulf %mul3A_138, %bitcast3A_134 : vector<16xf32>
      %sub3A_140 = arith.constant 1.500000e+00 : f32
      %sub3A_141 = vector.broadcast %sub3A_140 : f32 to vector<16xf32>
      %sub3A_142 = arith.subf %sub3A_141, %mul3A_139 : vector<16xf32>
      %mul3A_143 = arith.mulf %bitcast3A_134, %sub3A_142 : vector<16xf32>
      %mul3A_144 = arith.constant 5.000000e-01 : f32
      %mul3A_145 = vector.broadcast %mul3A_144 : f32 to vector<16xf32>
      %mul3A_146 = arith.mulf %mul3A_145, %add3A_126 : vector<16xf32>
      %mul3A_147 = arith.mulf %mul3A_146, %mul3A_143 : vector<16xf32>
      %mul3A_148 = arith.mulf %mul3A_147, %mul3A_143 : vector<16xf32>
      %sub3A_149 = arith.constant 1.500000e+00 : f32
      %sub3A_150 = vector.broadcast %sub3A_149 : f32 to vector<16xf32>
      %sub3A_151 = arith.subf %sub3A_150, %mul3A_148 : vector<16xf32>
      %mul3A_152 = arith.mulf %mul3A_143, %sub3A_151 : vector<16xf32>
      %mul3A_153 = arith.constant 5.000000e-01 : f32
      %mul3A_154 = vector.broadcast %mul3A_153 : f32 to vector<16xf32>
      %mul3A_155 = arith.mulf %mul3A_154, %add3A_126 : vector<16xf32>
      %mul3A_156 = arith.mulf %mul3A_155, %mul3A_152 : vector<16xf32>
      %mul3A_157 = arith.mulf %mul3A_156, %mul3A_152 : vector<16xf32>
      %sub3A_158 = arith.constant 1.500000e+00 : f32
      %sub3A_159 = vector.broadcast %sub3A_158 : f32 to vector<16xf32>
      %sub3A_160 = arith.subf %sub3A_159, %mul3A_157 : vector<16xf32>
      %mul3A_161 = arith.mulf %mul3A_152, %sub3A_160 : vector<16xf32>
      %mul3A_162 = arith.mulf %add3A_126, %mul3A_161 : vector<16xf32>
      %sub3A_163 = arith.constant 1.000000e+00 : f32
      %sub3A_164 = vector.broadcast %sub3A_163 : f32 to vector<16xf32>
      %sub3A_165 = arith.subf %mul3A_162, %sub3A_164 : vector<16xf32>
      %mul3A_166 = arith.mulf %sign3A_122, %sub3A_165 : vector<16xf32>
      %mul3A_167 = arith.constant 1.000000e-03 : f32
      %mul3A_168 = vector.broadcast %mul3A_167 : f32 to vector<16xf32>
      %mul3A_169 = arith.mulf %mul3A_168, %get3A_109 : vector<16xf32>
      %add3A_170 = arith.addf %mul3A_166, %mul3A_169 : vector<16xf32>
      %max3A_171 = arith.constant -3.000000e+02 : f32
      %max3A_172 = vector.broadcast %max3A_171 : f32 to vector<16xf32>
      %max3A_173 = arith.maximumf %add3A_170, %max3A_172 : vector<16xf32>
      %min3A_174 = arith.constant 3.000000e+02 : f32
      %min3A_175 = vector.broadcast %min3A_174 : f32 to vector<16xf32>
      %min3A_176 = arith.minimumf %max3A_173, %min3A_175 : vector<16xf32>
      %add3A_177 = arith.constant 3.000000e+02 : f32
      %add3A_178 = vector.broadcast %add3A_177 : f32 to vector<16xf32>
      %add3A_179 = arith.addf %min3A_176, %add3A_178 : vector<16xf32>
      %convert_element_type3A_180 = arith.fptosi %add3A_179 : vector<16xf32> to vector<16xi32>
      %min3A_181 = arith.constant 599 : i32
      %min3A_182 = vector.broadcast %min3A_181 : i32 to vector<16xi32>
      %min3A_183 = arith.minsi %convert_element_type3A_180, %min3A_182 : vector<16xi32>
      %convert_element_type3A_184 = arith.sitofp %min3A_183 : vector<16xi32> to vector<16xf32>
      %sub3A_185 = arith.subf %add3A_179, %convert_element_type3A_184 : vector<16xf32>
      %sub3A_186 = arith.constant 1.000000e+00 : f32
      %sub3A_187 = vector.broadcast %sub3A_186 : f32 to vector<16xf32>
      %sub3A_188 = arith.subf %sub3A_187, %sub3A_185 : vector<16xf32>
      %add3A_189 = arith.constant 16 : i32
      %add3A_190 = vector.broadcast %add3A_189 : i32 to vector<16xi32>
      %add3A_191 = arith.addi %add3A_190, %iota3A : vector<16xi32>
      tpu.vector_store_idx %arg5[%min3A_183, %add3A_191], %sub3A_188 : memref<601x128xf32, #tpu.memory_space<vmem>>[vector<16xi32>, vector<16xi32>], vector<16xf32>,
      %add3A_192 = arith.constant 1 : i32
      %add3A_193 = vector.broadcast %add3A_192 : i32 to vector<16xi32>
      %add3A_194 = arith.addi %min3A_183, %add3A_193 : vector<16xi32>
      tpu.vector_store_idx %arg5[%add3A_194, %add3A_191], %sub3A_185 : memref<601x128xf32, #tpu.memory_space<vmem>>[vector<16xi32>, vector<16xi32>], vector<16xf32>,
      %swap3A_195 = arith.constant 1 : i32
      %swap3A_196 = arith.index_cast %swap3A_195 : i32 to index
      %swap3A_197 = arith.constant 0 : index
      %swap3A_198 = tpu.vector_load %arg6[%swap3A_196, %swap3A_197] {strides = array<i32>} : memref<8x16xi32, #tpu.memory_space<vmem>>, vector<16xi32>,
      tpu.vector_store %arg6[%swap3A_196, %swap3A_197], %min3A_183 {strides = array<i32>} : memref<8x16xi32, #tpu.memory_space<vmem>>, vector<16xi32>,
      %mul3A_199 = arith.constant 128 : i32
      %mul3A_200 = arith.muli %scan3A_17, %mul3A_199 : i32
      %add3A_201 = arith.constant 32 : i32
      %add3A_202 = arith.addi %mul3A_200, %add3A_201 : i32
      %get3A_203 = arith.index_cast %add3A_202 : i32 to index
      %get3A_204 = tpu.vector_load %arg4[%get3A_203] {strides = array<i32>} : memref<4096xf32, #tpu.memory_space<vmem>>, vector<16xf32>,
      %sign3A_205 = tpu.bitcast %get3A_204 : vector<16xf32> -> vector<16xi32>
      %sign3A_206 = arith.constant -2147483648 : i32
      %sign3A_207 = vector.broadcast %sign3A_206 : i32 to vector<16xi32>
      %sign3A_208 = arith.andi %sign3A_205, %sign3A_207 : vector<16xi32>
      %sign3A_209 = arith.constant 1065353216 : i32
      %sign3A_210 = vector.broadcast %sign3A_209 : i32 to vector<16xi32>
      %sign3A_211 = arith.ori %sign3A_210, %sign3A_208 : vector<16xi32>
      %sign3A_212 = tpu.bitcast %sign3A_211 : vector<16xi32> -> vector<16xf32>
      %sign3A_213 = math.absf %get3A_204 : vector<16xf32>
      %sign3A_214 = arith.constant 0.000000e+00 : f32
      %sign3A_215 = vector.broadcast %sign3A_214 : f32 to vector<16xf32>
      %sign3A_216 = arith.cmpf ogt, %sign3A_213, %sign3A_215 : vector<16xf32>
      %sign3A_217 = arith.select %sign3A_216, %sign3A_212, %get3A_204 : vector<16xi1>, vector<16xf32>
      %abs3A_218 = math.absf %get3A_204 : vector<16xf32>
      %add3A_219 = arith.constant 1.000000e+00 : f32
      %add3A_220 = vector.broadcast %add3A_219 : f32 to vector<16xf32>
      %add3A_221 = arith.addf %abs3A_218, %add3A_220 : vector<16xf32>
      %bitcast3A_222 = vector.bitcast %add3A_221 : vector<16xf32> to vector<16xi32>
      %shift_right_arithmetic3A_223 = arith.constant 1 : i32
      %shift_right_arithmetic3A_224 = vector.broadcast %shift_right_arithmetic3A_223 : i32 to vector<16xi32>
      %shift_right_arithmetic3A_225 = arith.shrsi %bitcast3A_222, %shift_right_arithmetic3A_224 : vector<16xi32>
      %sub3A_226 = arith.constant 1597463007 : i32
      %sub3A_227 = vector.broadcast %sub3A_226 : i32 to vector<16xi32>
      %sub3A_228 = arith.subi %sub3A_227, %shift_right_arithmetic3A_225 : vector<16xi32>
      %bitcast3A_229 = vector.bitcast %sub3A_228 : vector<16xi32> to vector<16xf32>
      %mul3A_230 = arith.constant 5.000000e-01 : f32
      %mul3A_231 = vector.broadcast %mul3A_230 : f32 to vector<16xf32>
      %mul3A_232 = arith.mulf %mul3A_231, %add3A_221 : vector<16xf32>
      %mul3A_233 = arith.mulf %mul3A_232, %bitcast3A_229 : vector<16xf32>
      %mul3A_234 = arith.mulf %mul3A_233, %bitcast3A_229 : vector<16xf32>
      %sub3A_235 = arith.constant 1.500000e+00 : f32
      %sub3A_236 = vector.broadcast %sub3A_235 : f32 to vector<16xf32>
      %sub3A_237 = arith.subf %sub3A_236, %mul3A_234 : vector<16xf32>
      %mul3A_238 = arith.mulf %bitcast3A_229, %sub3A_237 : vector<16xf32>
      %mul3A_239 = arith.constant 5.000000e-01 : f32
      %mul3A_240 = vector.broadcast %mul3A_239 : f32 to vector<16xf32>
      %mul3A_241 = arith.mulf %mul3A_240, %add3A_221 : vector<16xf32>
      %mul3A_242 = arith.mulf %mul3A_241, %mul3A_238 : vector<16xf32>
      %mul3A_243 = arith.mulf %mul3A_242, %mul3A_238 : vector<16xf32>
      %sub3A_244 = arith.constant 1.500000e+00 : f32
      %sub3A_245 = vector.broadcast %sub3A_244 : f32 to vector<16xf32>
      %sub3A_246 = arith.subf %sub3A_245, %mul3A_243 : vector<16xf32>
      %mul3A_247 = arith.mulf %mul3A_238, %sub3A_246 : vector<16xf32>
      %mul3A_248 = arith.constant 5.000000e-01 : f32
      %mul3A_249 = vector.broadcast %mul3A_248 : f32 to vector<16xf32>
      %mul3A_250 = arith.mulf %mul3A_249, %add3A_221 : vector<16xf32>
      %mul3A_251 = arith.mulf %mul3A_250, %mul3A_247 : vector<16xf32>
      %mul3A_252 = arith.mulf %mul3A_251, %mul3A_247 : vector<16xf32>
      %sub3A_253 = arith.constant 1.500000e+00 : f32
      %sub3A_254 = vector.broadcast %sub3A_253 : f32 to vector<16xf32>
      %sub3A_255 = arith.subf %sub3A_254, %mul3A_252 : vector<16xf32>
      %mul3A_256 = arith.mulf %mul3A_247, %sub3A_255 : vector<16xf32>
      %mul3A_257 = arith.mulf %add3A_221, %mul3A_256 : vector<16xf32>
      %sub3A_258 = arith.constant 1.000000e+00 : f32
      %sub3A_259 = vector.broadcast %sub3A_258 : f32 to vector<16xf32>
      %sub3A_260 = arith.subf %mul3A_257, %sub3A_259 : vector<16xf32>
      %mul3A_261 = arith.mulf %sign3A_217, %sub3A_260 : vector<16xf32>
      %mul3A_262 = arith.constant 1.000000e-03 : f32
      %mul3A_263 = vector.broadcast %mul3A_262 : f32 to vector<16xf32>
      %mul3A_264 = arith.mulf %mul3A_263, %get3A_204 : vector<16xf32>
      %add3A_265 = arith.addf %mul3A_261, %mul3A_264 : vector<16xf32>
      %max3A_266 = arith.constant -3.000000e+02 : f32
      %max3A_267 = vector.broadcast %max3A_266 : f32 to vector<16xf32>
      %max3A_268 = arith.maximumf %add3A_265, %max3A_267 : vector<16xf32>
      %min3A_269 = arith.constant 3.000000e+02 : f32
      %min3A_270 = vector.broadcast %min3A_269 : f32 to vector<16xf32>
      %min3A_271 = arith.minimumf %max3A_268, %min3A_270 : vector<16xf32>
      %add3A_272 = arith.constant 3.000000e+02 : f32
      %add3A_273 = vector.broadcast %add3A_272 : f32 to vector<16xf32>
      %add3A_274 = arith.addf %min3A_271, %add3A_273 : vector<16xf32>
      %convert_element_type3A_275 = arith.fptosi %add3A_274 : vector<16xf32> to vector<16xi32>
      %min3A_276 = arith.constant 599 : i32
      %min3A_277 = vector.broadcast %min3A_276 : i32 to vector<16xi32>
      %min3A_278 = arith.minsi %convert_element_type3A_275, %min3A_277 : vector<16xi32>
      %convert_element_type3A_279 = arith.sitofp %min3A_278 : vector<16xi32> to vector<16xf32>
      %sub3A_280 = arith.subf %add3A_274, %convert_element_type3A_279 : vector<16xf32>
      %sub3A_281 = arith.constant 1.000000e+00 : f32
      %sub3A_282 = vector.broadcast %sub3A_281 : f32 to vector<16xf32>
      %sub3A_283 = arith.subf %sub3A_282, %sub3A_280 : vector<16xf32>
      %add3A_284 = arith.constant 32 : i32
      %add3A_285 = vector.broadcast %add3A_284 : i32 to vector<16xi32>
      %add3A_286 = arith.addi %add3A_285, %iota3A : vector<16xi32>
      tpu.vector_store_idx %arg5[%min3A_278, %add3A_286], %sub3A_283 : memref<601x128xf32, #tpu.memory_space<vmem>>[vector<16xi32>, vector<16xi32>], vector<16xf32>,
      %add3A_287 = arith.constant 1 : i32
      %add3A_288 = vector.broadcast %add3A_287 : i32 to vector<16xi32>
      %add3A_289 = arith.addi %min3A_278, %add3A_288 : vector<16xi32>
      tpu.vector_store_idx %arg5[%add3A_289, %add3A_286], %sub3A_280 : memref<601x128xf32, #tpu.memory_space<vmem>>[vector<16xi32>, vector<16xi32>], vector<16xf32>,
      %swap3A_290 = arith.constant 2 : i32
      %swap3A_291 = arith.index_cast %swap3A_290 : i32 to index
      %swap3A_292 = arith.constant 0 : index
      %swap3A_293 = tpu.vector_load %arg6[%swap3A_291, %swap3A_292] {strides = array<i32>} : memref<8x16xi32, #tpu.memory_space<vmem>>, vector<16xi32>,
      tpu.vector_store %arg6[%swap3A_291, %swap3A_292], %min3A_278 {strides = array<i32>} : memref<8x16xi32, #tpu.memory_space<vmem>>, vector<16xi32>,
      %mul3A_294 = arith.constant 128 : i32
      %mul3A_295 = arith.muli %scan3A_17, %mul3A_294 : i32
      %add3A_296 = arith.constant 48 : i32
      %add3A_297 = arith.addi %mul3A_295, %add3A_296 : i32
      %get3A_298 = arith.index_cast %add3A_297 : i32 to index
      %get3A_299 = tpu.vector_load %arg4[%get3A_298] {strides = array<i32>} : memref<4096xf32, #tpu.memory_space<vmem>>, vector<16xf32>,
      %sign3A_300 = tpu.bitcast %get3A_299 : vector<16xf32> -> vector<16xi32>
      %sign3A_301 = arith.constant -2147483648 : i32
      %sign3A_302 = vector.broadcast %sign3A_301 : i32 to vector<16xi32>
      %sign3A_303 = arith.andi %sign3A_300, %sign3A_302 : vector<16xi32>
      %sign3A_304 = arith.constant 1065353216 : i32
      %sign3A_305 = vector.broadcast %sign3A_304 : i32 to vector<16xi32>
      %sign3A_306 = arith.ori %sign3A_305, %sign3A_303 : vector<16xi32>
      %sign3A_307 = tpu.bitcast %sign3A_306 : vector<16xi32> -> vector<16xf32>
      %sign3A_308 = math.absf %get3A_299 : vector<16xf32>
      %sign3A_309 = arith.constant 0.000000e+00 : f32
      %sign3A_310 = vector.broadcast %sign3A_309 : f32 to vector<16xf32>
      %sign3A_311 = arith.cmpf ogt, %sign3A_308, %sign3A_310 : vector<16xf32>
      %sign3A_312 = arith.select %sign3A_311, %sign3A_307, %get3A_299 : vector<16xi1>, vector<16xf32>
      %abs3A_313 = math.absf %get3A_299 : vector<16xf32>
      %add3A_314 = arith.constant 1.000000e+00 : f32
      %add3A_315 = vector.broadcast %add3A_314 : f32 to vector<16xf32>
      %add3A_316 = arith.addf %abs3A_313, %add3A_315 : vector<16xf32>
      %bitcast3A_317 = vector.bitcast %add3A_316 : vector<16xf32> to vector<16xi32>
      %shift_right_arithmetic3A_318 = arith.constant 1 : i32
      %shift_right_arithmetic3A_319 = vector.broadcast %shift_right_arithmetic3A_318 : i32 to vector<16xi32>
      %shift_right_arithmetic3A_320 = arith.shrsi %bitcast3A_317, %shift_right_arithmetic3A_319 : vector<16xi32>
      %sub3A_321 = arith.constant 1597463007 : i32
      %sub3A_322 = vector.broadcast %sub3A_321 : i32 to vector<16xi32>
      %sub3A_323 = arith.subi %sub3A_322, %shift_right_arithmetic3A_320 : vector<16xi32>
      %bitcast3A_324 = vector.bitcast %sub3A_323 : vector<16xi32> to vector<16xf32>
      %mul3A_325 = arith.constant 5.000000e-01 : f32
      %mul3A_326 = vector.broadcast %mul3A_325 : f32 to vector<16xf32>
      %mul3A_327 = arith.mulf %mul3A_326, %add3A_316 : vector<16xf32>
      %mul3A_328 = arith.mulf %mul3A_327, %bitcast3A_324 : vector<16xf32>
      %mul3A_329 = arith.mulf %mul3A_328, %bitcast3A_324 : vector<16xf32>
      %sub3A_330 = arith.constant 1.500000e+00 : f32
      %sub3A_331 = vector.broadcast %sub3A_330 : f32 to vector<16xf32>
      %sub3A_332 = arith.subf %sub3A_331, %mul3A_329 : vector<16xf32>
      %mul3A_333 = arith.mulf %bitcast3A_324, %sub3A_332 : vector<16xf32>
      %mul3A_334 = arith.constant 5.000000e-01 : f32
      %mul3A_335 = vector.broadcast %mul3A_334 : f32 to vector<16xf32>
      %mul3A_336 = arith.mulf %mul3A_335, %add3A_316 : vector<16xf32>
      %mul3A_337 = arith.mulf %mul3A_336, %mul3A_333 : vector<16xf32>
      %mul3A_338 = arith.mulf %mul3A_337, %mul3A_333 : vector<16xf32>
      %sub3A_339 = arith.constant 1.500000e+00 : f32
      %sub3A_340 = vector.broadcast %sub3A_339 : f32 to vector<16xf32>
      %sub3A_341 = arith.subf %sub3A_340, %mul3A_338 : vector<16xf32>
      %mul3A_342 = arith.mulf %mul3A_333, %sub3A_341 : vector<16xf32>
      %mul3A_343 = arith.constant 5.000000e-01 : f32
      %mul3A_344 = vector.broadcast %mul3A_343 : f32 to vector<16xf32>
      %mul3A_345 = arith.mulf %mul3A_344, %add3A_316 : vector<16xf32>
      %mul3A_346 = arith.mulf %mul3A_345, %mul3A_342 : vector<16xf32>
      %mul3A_347 = arith.mulf %mul3A_346, %mul3A_342 : vector<16xf32>
      %sub3A_348 = arith.constant 1.500000e+00 : f32
      %sub3A_349 = vector.broadcast %sub3A_348 : f32 to vector<16xf32>
      %sub3A_350 = arith.subf %sub3A_349, %mul3A_347 : vector<16xf32>
      %mul3A_351 = arith.mulf %mul3A_342, %sub3A_350 : vector<16xf32>
      %mul3A_352 = arith.mulf %add3A_316, %mul3A_351 : vector<16xf32>
      %sub3A_353 = arith.constant 1.000000e+00 : f32
      %sub3A_354 = vector.broadcast %sub3A_353 : f32 to vector<16xf32>
      %sub3A_355 = arith.subf %mul3A_352, %sub3A_354 : vector<16xf32>
      %mul3A_356 = arith.mulf %sign3A_312, %sub3A_355 : vector<16xf32>
      %mul3A_357 = arith.constant 1.000000e-03 : f32
      %mul3A_358 = vector.broadcast %mul3A_357 : f32 to vector<16xf32>
      %mul3A_359 = arith.mulf %mul3A_358, %get3A_299 : vector<16xf32>
      %add3A_360 = arith.addf %mul3A_356, %mul3A_359 : vector<16xf32>
      %max3A_361 = arith.constant -3.000000e+02 : f32
      %max3A_362 = vector.broadcast %max3A_361 : f32 to vector<16xf32>
      %max3A_363 = arith.maximumf %add3A_360, %max3A_362 : vector<16xf32>
      %min3A_364 = arith.constant 3.000000e+02 : f32
      %min3A_365 = vector.broadcast %min3A_364 : f32 to vector<16xf32>
      %min3A_366 = arith.minimumf %max3A_363, %min3A_365 : vector<16xf32>
      %add3A_367 = arith.constant 3.000000e+02 : f32
      %add3A_368 = vector.broadcast %add3A_367 : f32 to vector<16xf32>
      %add3A_369 = arith.addf %min3A_366, %add3A_368 : vector<16xf32>
      %convert_element_type3A_370 = arith.fptosi %add3A_369 : vector<16xf32> to vector<16xi32>
      %min3A_371 = arith.constant 599 : i32
      %min3A_372 = vector.broadcast %min3A_371 : i32 to vector<16xi32>
      %min3A_373 = arith.minsi %convert_element_type3A_370, %min3A_372 : vector<16xi32>
      %convert_element_type3A_374 = arith.sitofp %min3A_373 : vector<16xi32> to vector<16xf32>
      %sub3A_375 = arith.subf %add3A_369, %convert_element_type3A_374 : vector<16xf32>
      %sub3A_376 = arith.constant 1.000000e+00 : f32
      %sub3A_377 = vector.broadcast %sub3A_376 : f32 to vector<16xf32>
      %sub3A_378 = arith.subf %sub3A_377, %sub3A_375 : vector<16xf32>
      %add3A_379 = arith.constant 48 : i32
      %add3A_380 = vector.broadcast %add3A_379 : i32 to vector<16xi32>
      %add3A_381 = arith.addi %add3A_380, %iota3A : vector<16xi32>
      tpu.vector_store_idx %arg5[%min3A_373, %add3A_381], %sub3A_378 : memref<601x128xf32, #tpu.memory_space<vmem>>[vector<16xi32>, vector<16xi32>], vector<16xf32>,
      %add3A_382 = arith.constant 1 : i32
      %add3A_383 = vector.broadcast %add3A_382 : i32 to vector<16xi32>
      %add3A_384 = arith.addi %min3A_373, %add3A_383 : vector<16xi32>
      tpu.vector_store_idx %arg5[%add3A_384, %add3A_381], %sub3A_375 : memref<601x128xf32, #tpu.memory_space<vmem>>[vector<16xi32>, vector<16xi32>], vector<16xf32>,
      %swap3A_385 = arith.constant 3 : i32
      %swap3A_386 = arith.index_cast %swap3A_385 : i32 to index
      %swap3A_387 = arith.constant 0 : index
      %swap3A_388 = tpu.vector_load %arg6[%swap3A_386, %swap3A_387] {strides = array<i32>} : memref<8x16xi32, #tpu.memory_space<vmem>>, vector<16xi32>,
      tpu.vector_store %arg6[%swap3A_386, %swap3A_387], %min3A_373 {strides = array<i32>} : memref<8x16xi32, #tpu.memory_space<vmem>>, vector<16xi32>,
      %mul3A_389 = arith.constant 128 : i32
      %mul3A_390 = arith.muli %scan3A_17, %mul3A_389 : i32
      %add3A_391 = arith.constant 64 : i32
      %add3A_392 = arith.addi %mul3A_390, %add3A_391 : i32
      %get3A_393 = arith.index_cast %add3A_392 : i32 to index
      %get3A_394 = tpu.vector_load %arg4[%get3A_393] {strides = array<i32>} : memref<4096xf32, #tpu.memory_space<vmem>>, vector<16xf32>,
      %sign3A_395 = tpu.bitcast %get3A_394 : vector<16xf32> -> vector<16xi32>
      %sign3A_396 = arith.constant -2147483648 : i32
      %sign3A_397 = vector.broadcast %sign3A_396 : i32 to vector<16xi32>
      %sign3A_398 = arith.andi %sign3A_395, %sign3A_397 : vector<16xi32>
      %sign3A_399 = arith.constant 1065353216 : i32
      %sign3A_400 = vector.broadcast %sign3A_399 : i32 to vector<16xi32>
      %sign3A_401 = arith.ori %sign3A_400, %sign3A_398 : vector<16xi32>
      %sign3A_402 = tpu.bitcast %sign3A_401 : vector<16xi32> -> vector<16xf32>
      %sign3A_403 = math.absf %get3A_394 : vector<16xf32>
      %sign3A_404 = arith.constant 0.000000e+00 : f32
      %sign3A_405 = vector.broadcast %sign3A_404 : f32 to vector<16xf32>
      %sign3A_406 = arith.cmpf ogt, %sign3A_403, %sign3A_405 : vector<16xf32>
      %sign3A_407 = arith.select %sign3A_406, %sign3A_402, %get3A_394 : vector<16xi1>, vector<16xf32>
      %abs3A_408 = math.absf %get3A_394 : vector<16xf32>
      %add3A_409 = arith.constant 1.000000e+00 : f32
      %add3A_410 = vector.broadcast %add3A_409 : f32 to vector<16xf32>
      %add3A_411 = arith.addf %abs3A_408, %add3A_410 : vector<16xf32>
      %bitcast3A_412 = vector.bitcast %add3A_411 : vector<16xf32> to vector<16xi32>
      %shift_right_arithmetic3A_413 = arith.constant 1 : i32
      %shift_right_arithmetic3A_414 = vector.broadcast %shift_right_arithmetic3A_413 : i32 to vector<16xi32>
      %shift_right_arithmetic3A_415 = arith.shrsi %bitcast3A_412, %shift_right_arithmetic3A_414 : vector<16xi32>
      %sub3A_416 = arith.constant 1597463007 : i32
      %sub3A_417 = vector.broadcast %sub3A_416 : i32 to vector<16xi32>
      %sub3A_418 = arith.subi %sub3A_417, %shift_right_arithmetic3A_415 : vector<16xi32>
      %bitcast3A_419 = vector.bitcast %sub3A_418 : vector<16xi32> to vector<16xf32>
      %mul3A_420 = arith.constant 5.000000e-01 : f32
      %mul3A_421 = vector.broadcast %mul3A_420 : f32 to vector<16xf32>
      %mul3A_422 = arith.mulf %mul3A_421, %add3A_411 : vector<16xf32>
      %mul3A_423 = arith.mulf %mul3A_422, %bitcast3A_419 : vector<16xf32>
      %mul3A_424 = arith.mulf %mul3A_423, %bitcast3A_419 : vector<16xf32>
      %sub3A_425 = arith.constant 1.500000e+00 : f32
      %sub3A_426 = vector.broadcast %sub3A_425 : f32 to vector<16xf32>
      %sub3A_427 = arith.subf %sub3A_426, %mul3A_424 : vector<16xf32>
      %mul3A_428 = arith.mulf %bitcast3A_419, %sub3A_427 : vector<16xf32>
      %mul3A_429 = arith.constant 5.000000e-01 : f32
      %mul3A_430 = vector.broadcast %mul3A_429 : f32 to vector<16xf32>
      %mul3A_431 = arith.mulf %mul3A_430, %add3A_411 : vector<16xf32>
      %mul3A_432 = arith.mulf %mul3A_431, %mul3A_428 : vector<16xf32>
      %mul3A_433 = arith.mulf %mul3A_432, %mul3A_428 : vector<16xf32>
      %sub3A_434 = arith.constant 1.500000e+00 : f32
      %sub3A_435 = vector.broadcast %sub3A_434 : f32 to vector<16xf32>
      %sub3A_436 = arith.subf %sub3A_435, %mul3A_433 : vector<16xf32>
      %mul3A_437 = arith.mulf %mul3A_428, %sub3A_436 : vector<16xf32>
      %mul3A_438 = arith.constant 5.000000e-01 : f32
      %mul3A_439 = vector.broadcast %mul3A_438 : f32 to vector<16xf32>
      %mul3A_440 = arith.mulf %mul3A_439, %add3A_411 : vector<16xf32>
      %mul3A_441 = arith.mulf %mul3A_440, %mul3A_437 : vector<16xf32>
      %mul3A_442 = arith.mulf %mul3A_441, %mul3A_437 : vector<16xf32>
      %sub3A_443 = arith.constant 1.500000e+00 : f32
      %sub3A_444 = vector.broadcast %sub3A_443 : f32 to vector<16xf32>
      %sub3A_445 = arith.subf %sub3A_444, %mul3A_442 : vector<16xf32>
      %mul3A_446 = arith.mulf %mul3A_437, %sub3A_445 : vector<16xf32>
      %mul3A_447 = arith.mulf %add3A_411, %mul3A_446 : vector<16xf32>
      %sub3A_448 = arith.constant 1.000000e+00 : f32
      %sub3A_449 = vector.broadcast %sub3A_448 : f32 to vector<16xf32>
      %sub3A_450 = arith.subf %mul3A_447, %sub3A_449 : vector<16xf32>
      %mul3A_451 = arith.mulf %sign3A_407, %sub3A_450 : vector<16xf32>
      %mul3A_452 = arith.constant 1.000000e-03 : f32
      %mul3A_453 = vector.broadcast %mul3A_452 : f32 to vector<16xf32>
      %mul3A_454 = arith.mulf %mul3A_453, %get3A_394 : vector<16xf32>
      %add3A_455 = arith.addf %mul3A_451, %mul3A_454 : vector<16xf32>
      %max3A_456 = arith.constant -3.000000e+02 : f32
      %max3A_457 = vector.broadcast %max3A_456 : f32 to vector<16xf32>
      %max3A_458 = arith.maximumf %add3A_455, %max3A_457 : vector<16xf32>
      %min3A_459 = arith.constant 3.000000e+02 : f32
      %min3A_460 = vector.broadcast %min3A_459 : f32 to vector<16xf32>
      %min3A_461 = arith.minimumf %max3A_458, %min3A_460 : vector<16xf32>
      %add3A_462 = arith.constant 3.000000e+02 : f32
      %add3A_463 = vector.broadcast %add3A_462 : f32 to vector<16xf32>
      %add3A_464 = arith.addf %min3A_461, %add3A_463 : vector<16xf32>
      %convert_element_type3A_465 = arith.fptosi %add3A_464 : vector<16xf32> to vector<16xi32>
      %min3A_466 = arith.constant 599 : i32
      %min3A_467 = vector.broadcast %min3A_466 : i32 to vector<16xi32>
      %min3A_468 = arith.minsi %convert_element_type3A_465, %min3A_467 : vector<16xi32>
      %convert_element_type3A_469 = arith.sitofp %min3A_468 : vector<16xi32> to vector<16xf32>
      %sub3A_470 = arith.subf %add3A_464, %convert_element_type3A_469 : vector<16xf32>
      %sub3A_471 = arith.constant 1.000000e+00 : f32
      %sub3A_472 = vector.broadcast %sub3A_471 : f32 to vector<16xf32>
      %sub3A_473 = arith.subf %sub3A_472, %sub3A_470 : vector<16xf32>
      %add3A_474 = arith.constant 64 : i32
      %add3A_475 = vector.broadcast %add3A_474 : i32 to vector<16xi32>
      %add3A_476 = arith.addi %add3A_475, %iota3A : vector<16xi32>
      tpu.vector_store_idx %arg5[%min3A_468, %add3A_476], %sub3A_473 : memref<601x128xf32, #tpu.memory_space<vmem>>[vector<16xi32>, vector<16xi32>], vector<16xf32>,
      %add3A_477 = arith.constant 1 : i32
      %add3A_478 = vector.broadcast %add3A_477 : i32 to vector<16xi32>
      %add3A_479 = arith.addi %min3A_468, %add3A_478 : vector<16xi32>
      tpu.vector_store_idx %arg5[%add3A_479, %add3A_476], %sub3A_470 : memref<601x128xf32, #tpu.memory_space<vmem>>[vector<16xi32>, vector<16xi32>], vector<16xf32>,
      %swap3A_480 = arith.constant 4 : i32
      %swap3A_481 = arith.index_cast %swap3A_480 : i32 to index
      %swap3A_482 = arith.constant 0 : index
      %swap3A_483 = tpu.vector_load %arg6[%swap3A_481, %swap3A_482] {strides = array<i32>} : memref<8x16xi32, #tpu.memory_space<vmem>>, vector<16xi32>,
      tpu.vector_store %arg6[%swap3A_481, %swap3A_482], %min3A_468 {strides = array<i32>} : memref<8x16xi32, #tpu.memory_space<vmem>>, vector<16xi32>,
      %mul3A_484 = arith.constant 128 : i32
      %mul3A_485 = arith.muli %scan3A_17, %mul3A_484 : i32
      %add3A_486 = arith.constant 80 : i32
      %add3A_487 = arith.addi %mul3A_485, %add3A_486 : i32
      %get3A_488 = arith.index_cast %add3A_487 : i32 to index
      %get3A_489 = tpu.vector_load %arg4[%get3A_488] {strides = array<i32>} : memref<4096xf32, #tpu.memory_space<vmem>>, vector<16xf32>,
      %sign3A_490 = tpu.bitcast %get3A_489 : vector<16xf32> -> vector<16xi32>
      %sign3A_491 = arith.constant -2147483648 : i32
      %sign3A_492 = vector.broadcast %sign3A_491 : i32 to vector<16xi32>
      %sign3A_493 = arith.andi %sign3A_490, %sign3A_492 : vector<16xi32>
      %sign3A_494 = arith.constant 1065353216 : i32
      %sign3A_495 = vector.broadcast %sign3A_494 : i32 to vector<16xi32>
      %sign3A_496 = arith.ori %sign3A_495, %sign3A_493 : vector<16xi32>
      %sign3A_497 = tpu.bitcast %sign3A_496 : vector<16xi32> -> vector<16xf32>
      %sign3A_498 = math.absf %get3A_489 : vector<16xf32>
      %sign3A_499 = arith.constant 0.000000e+00 : f32
      %sign3A_500 = vector.broadcast %sign3A_499 : f32 to vector<16xf32>
      %sign3A_501 = arith.cmpf ogt, %sign3A_498, %sign3A_500 : vector<16xf32>
      %sign3A_502 = arith.select %sign3A_501, %sign3A_497, %get3A_489 : vector<16xi1>, vector<16xf32>
      %abs3A_503 = math.absf %get3A_489 : vector<16xf32>
      %add3A_504 = arith.constant 1.000000e+00 : f32
      %add3A_505 = vector.broadcast %add3A_504 : f32 to vector<16xf32>
      %add3A_506 = arith.addf %abs3A_503, %add3A_505 : vector<16xf32>
      %bitcast3A_507 = vector.bitcast %add3A_506 : vector<16xf32> to vector<16xi32>
      %shift_right_arithmetic3A_508 = arith.constant 1 : i32
      %shift_right_arithmetic3A_509 = vector.broadcast %shift_right_arithmetic3A_508 : i32 to vector<16xi32>
      %shift_right_arithmetic3A_510 = arith.shrsi %bitcast3A_507, %shift_right_arithmetic3A_509 : vector<16xi32>
      %sub3A_511 = arith.constant 1597463007 : i32
      %sub3A_512 = vector.broadcast %sub3A_511 : i32 to vector<16xi32>
      %sub3A_513 = arith.subi %sub3A_512, %shift_right_arithmetic3A_510 : vector<16xi32>
      %bitcast3A_514 = vector.bitcast %sub3A_513 : vector<16xi32> to vector<16xf32>
      %mul3A_515 = arith.constant 5.000000e-01 : f32
      %mul3A_516 = vector.broadcast %mul3A_515 : f32 to vector<16xf32>
      %mul3A_517 = arith.mulf %mul3A_516, %add3A_506 : vector<16xf32>
      %mul3A_518 = arith.mulf %mul3A_517, %bitcast3A_514 : vector<16xf32>
      %mul3A_519 = arith.mulf %mul3A_518, %bitcast3A_514 : vector<16xf32>
      %sub3A_520 = arith.constant 1.500000e+00 : f32
      %sub3A_521 = vector.broadcast %sub3A_520 : f32 to vector<16xf32>
      %sub3A_522 = arith.subf %sub3A_521, %mul3A_519 : vector<16xf32>
      %mul3A_523 = arith.mulf %bitcast3A_514, %sub3A_522 : vector<16xf32>
      %mul3A_524 = arith.constant 5.000000e-01 : f32
      %mul3A_525 = vector.broadcast %mul3A_524 : f32 to vector<16xf32>
      %mul3A_526 = arith.mulf %mul3A_525, %add3A_506 : vector<16xf32>
      %mul3A_527 = arith.mulf %mul3A_526, %mul3A_523 : vector<16xf32>
      %mul3A_528 = arith.mulf %mul3A_527, %mul3A_523 : vector<16xf32>
      %sub3A_529 = arith.constant 1.500000e+00 : f32
      %sub3A_530 = vector.broadcast %sub3A_529 : f32 to vector<16xf32>
      %sub3A_531 = arith.subf %sub3A_530, %mul3A_528 : vector<16xf32>
      %mul3A_532 = arith.mulf %mul3A_523, %sub3A_531 : vector<16xf32>
      %mul3A_533 = arith.constant 5.000000e-01 : f32
      %mul3A_534 = vector.broadcast %mul3A_533 : f32 to vector<16xf32>
      %mul3A_535 = arith.mulf %mul3A_534, %add3A_506 : vector<16xf32>
      %mul3A_536 = arith.mulf %mul3A_535, %mul3A_532 : vector<16xf32>
      %mul3A_537 = arith.mulf %mul3A_536, %mul3A_532 : vector<16xf32>
      %sub3A_538 = arith.constant 1.500000e+00 : f32
      %sub3A_539 = vector.broadcast %sub3A_538 : f32 to vector<16xf32>
      %sub3A_540 = arith.subf %sub3A_539, %mul3A_537 : vector<16xf32>
      %mul3A_541 = arith.mulf %mul3A_532, %sub3A_540 : vector<16xf32>
      %mul3A_542 = arith.mulf %add3A_506, %mul3A_541 : vector<16xf32>
      %sub3A_543 = arith.constant 1.000000e+00 : f32
      %sub3A_544 = vector.broadcast %sub3A_543 : f32 to vector<16xf32>
      %sub3A_545 = arith.subf %mul3A_542, %sub3A_544 : vector<16xf32>
      %mul3A_546 = arith.mulf %sign3A_502, %sub3A_545 : vector<16xf32>
      %mul3A_547 = arith.constant 1.000000e-03 : f32
      %mul3A_548 = vector.broadcast %mul3A_547 : f32 to vector<16xf32>
      %mul3A_549 = arith.mulf %mul3A_548, %get3A_489 : vector<16xf32>
      %add3A_550 = arith.addf %mul3A_546, %mul3A_549 : vector<16xf32>
      %max3A_551 = arith.constant -3.000000e+02 : f32
      %max3A_552 = vector.broadcast %max3A_551 : f32 to vector<16xf32>
      %max3A_553 = arith.maximumf %add3A_550, %max3A_552 : vector<16xf32>
      %min3A_554 = arith.constant 3.000000e+02 : f32
      %min3A_555 = vector.broadcast %min3A_554 : f32 to vector<16xf32>
      %min3A_556 = arith.minimumf %max3A_553, %min3A_555 : vector<16xf32>
      %add3A_557 = arith.constant 3.000000e+02 : f32
      %add3A_558 = vector.broadcast %add3A_557 : f32 to vector<16xf32>
      %add3A_559 = arith.addf %min3A_556, %add3A_558 : vector<16xf32>
      %convert_element_type3A_560 = arith.fptosi %add3A_559 : vector<16xf32> to vector<16xi32>
      %min3A_561 = arith.constant 599 : i32
      %min3A_562 = vector.broadcast %min3A_561 : i32 to vector<16xi32>
      %min3A_563 = arith.minsi %convert_element_type3A_560, %min3A_562 : vector<16xi32>
      %convert_element_type3A_564 = arith.sitofp %min3A_563 : vector<16xi32> to vector<16xf32>
      %sub3A_565 = arith.subf %add3A_559, %convert_element_type3A_564 : vector<16xf32>
      %sub3A_566 = arith.constant 1.000000e+00 : f32
      %sub3A_567 = vector.broadcast %sub3A_566 : f32 to vector<16xf32>
      %sub3A_568 = arith.subf %sub3A_567, %sub3A_565 : vector<16xf32>
      %add3A_569 = arith.constant 80 : i32
      %add3A_570 = vector.broadcast %add3A_569 : i32 to vector<16xi32>
      %add3A_571 = arith.addi %add3A_570, %iota3A : vector<16xi32>
      tpu.vector_store_idx %arg5[%min3A_563, %add3A_571], %sub3A_568 : memref<601x128xf32, #tpu.memory_space<vmem>>[vector<16xi32>, vector<16xi32>], vector<16xf32>,
      %add3A_572 = arith.constant 1 : i32
      %add3A_573 = vector.broadcast %add3A_572 : i32 to vector<16xi32>
      %add3A_574 = arith.addi %min3A_563, %add3A_573 : vector<16xi32>
      tpu.vector_store_idx %arg5[%add3A_574, %add3A_571], %sub3A_565 : memref<601x128xf32, #tpu.memory_space<vmem>>[vector<16xi32>, vector<16xi32>], vector<16xf32>,
      %swap3A_575 = arith.constant 5 : i32
      %swap3A_576 = arith.index_cast %swap3A_575 : i32 to index
      %swap3A_577 = arith.constant 0 : index
      %swap3A_578 = tpu.vector_load %arg6[%swap3A_576, %swap3A_577] {strides = array<i32>} : memref<8x16xi32, #tpu.memory_space<vmem>>, vector<16xi32>,
      tpu.vector_store %arg6[%swap3A_576, %swap3A_577], %min3A_563 {strides = array<i32>} : memref<8x16xi32, #tpu.memory_space<vmem>>, vector<16xi32>,
      %mul3A_579 = arith.constant 128 : i32
      %mul3A_580 = arith.muli %scan3A_17, %mul3A_579 : i32
      %add3A_581 = arith.constant 96 : i32
      %add3A_582 = arith.addi %mul3A_580, %add3A_581 : i32
      %get3A_583 = arith.index_cast %add3A_582 : i32 to index
      %get3A_584 = tpu.vector_load %arg4[%get3A_583] {strides = array<i32>} : memref<4096xf32, #tpu.memory_space<vmem>>, vector<16xf32>,
      %sign3A_585 = tpu.bitcast %get3A_584 : vector<16xf32> -> vector<16xi32>
      %sign3A_586 = arith.constant -2147483648 : i32
      %sign3A_587 = vector.broadcast %sign3A_586 : i32 to vector<16xi32>
      %sign3A_588 = arith.andi %sign3A_585, %sign3A_587 : vector<16xi32>
      %sign3A_589 = arith.constant 1065353216 : i32
      %sign3A_590 = vector.broadcast %sign3A_589 : i32 to vector<16xi32>
      %sign3A_591 = arith.ori %sign3A_590, %sign3A_588 : vector<16xi32>
      %sign3A_592 = tpu.bitcast %sign3A_591 : vector<16xi32> -> vector<16xf32>
      %sign3A_593 = math.absf %get3A_584 : vector<16xf32>
      %sign3A_594 = arith.constant 0.000000e+00 : f32
      %sign3A_595 = vector.broadcast %sign3A_594 : f32 to vector<16xf32>
      %sign3A_596 = arith.cmpf ogt, %sign3A_593, %sign3A_595 : vector<16xf32>
      %sign3A_597 = arith.select %sign3A_596, %sign3A_592, %get3A_584 : vector<16xi1>, vector<16xf32>
      %abs3A_598 = math.absf %get3A_584 : vector<16xf32>
      %add3A_599 = arith.constant 1.000000e+00 : f32
      %add3A_600 = vector.broadcast %add3A_599 : f32 to vector<16xf32>
      %add3A_601 = arith.addf %abs3A_598, %add3A_600 : vector<16xf32>
      %bitcast3A_602 = vector.bitcast %add3A_601 : vector<16xf32> to vector<16xi32>
      %shift_right_arithmetic3A_603 = arith.constant 1 : i32
      %shift_right_arithmetic3A_604 = vector.broadcast %shift_right_arithmetic3A_603 : i32 to vector<16xi32>
      %shift_right_arithmetic3A_605 = arith.shrsi %bitcast3A_602, %shift_right_arithmetic3A_604 : vector<16xi32>
      %sub3A_606 = arith.constant 1597463007 : i32
      %sub3A_607 = vector.broadcast %sub3A_606 : i32 to vector<16xi32>
      %sub3A_608 = arith.subi %sub3A_607, %shift_right_arithmetic3A_605 : vector<16xi32>
      %bitcast3A_609 = vector.bitcast %sub3A_608 : vector<16xi32> to vector<16xf32>
      %mul3A_610 = arith.constant 5.000000e-01 : f32
      %mul3A_611 = vector.broadcast %mul3A_610 : f32 to vector<16xf32>
      %mul3A_612 = arith.mulf %mul3A_611, %add3A_601 : vector<16xf32>
      %mul3A_613 = arith.mulf %mul3A_612, %bitcast3A_609 : vector<16xf32>
      %mul3A_614 = arith.mulf %mul3A_613, %bitcast3A_609 : vector<16xf32>
      %sub3A_615 = arith.constant 1.500000e+00 : f32
      %sub3A_616 = vector.broadcast %sub3A_615 : f32 to vector<16xf32>
      %sub3A_617 = arith.subf %sub3A_616, %mul3A_614 : vector<16xf32>
      %mul3A_618 = arith.mulf %bitcast3A_609, %sub3A_617 : vector<16xf32>
      %mul3A_619 = arith.constant 5.000000e-01 : f32
      %mul3A_620 = vector.broadcast %mul3A_619 : f32 to vector<16xf32>
      %mul3A_621 = arith.mulf %mul3A_620, %add3A_601 : vector<16xf32>
      %mul3A_622 = arith.mulf %mul3A_621, %mul3A_618 : vector<16xf32>
      %mul3A_623 = arith.mulf %mul3A_622, %mul3A_618 : vector<16xf32>
      %sub3A_624 = arith.constant 1.500000e+00 : f32
      %sub3A_625 = vector.broadcast %sub3A_624 : f32 to vector<16xf32>
      %sub3A_626 = arith.subf %sub3A_625, %mul3A_623 : vector<16xf32>
      %mul3A_627 = arith.mulf %mul3A_618, %sub3A_626 : vector<16xf32>
      %mul3A_628 = arith.constant 5.000000e-01 : f32
      %mul3A_629 = vector.broadcast %mul3A_628 : f32 to vector<16xf32>
      %mul3A_630 = arith.mulf %mul3A_629, %add3A_601 : vector<16xf32>
      %mul3A_631 = arith.mulf %mul3A_630, %mul3A_627 : vector<16xf32>
      %mul3A_632 = arith.mulf %mul3A_631, %mul3A_627 : vector<16xf32>
      %sub3A_633 = arith.constant 1.500000e+00 : f32
      %sub3A_634 = vector.broadcast %sub3A_633 : f32 to vector<16xf32>
      %sub3A_635 = arith.subf %sub3A_634, %mul3A_632 : vector<16xf32>
      %mul3A_636 = arith.mulf %mul3A_627, %sub3A_635 : vector<16xf32>
      %mul3A_637 = arith.mulf %add3A_601, %mul3A_636 : vector<16xf32>
      %sub3A_638 = arith.constant 1.000000e+00 : f32
      %sub3A_639 = vector.broadcast %sub3A_638 : f32 to vector<16xf32>
      %sub3A_640 = arith.subf %mul3A_637, %sub3A_639 : vector<16xf32>
      %mul3A_641 = arith.mulf %sign3A_597, %sub3A_640 : vector<16xf32>
      %mul3A_642 = arith.constant 1.000000e-03 : f32
      %mul3A_643 = vector.broadcast %mul3A_642 : f32 to vector<16xf32>
      %mul3A_644 = arith.mulf %mul3A_643, %get3A_584 : vector<16xf32>
      %add3A_645 = arith.addf %mul3A_641, %mul3A_644 : vector<16xf32>
      %max3A_646 = arith.constant -3.000000e+02 : f32
      %max3A_647 = vector.broadcast %max3A_646 : f32 to vector<16xf32>
      %max3A_648 = arith.maximumf %add3A_645, %max3A_647 : vector<16xf32>
      %min3A_649 = arith.constant 3.000000e+02 : f32
      %min3A_650 = vector.broadcast %min3A_649 : f32 to vector<16xf32>
      %min3A_651 = arith.minimumf %max3A_648, %min3A_650 : vector<16xf32>
      %add3A_652 = arith.constant 3.000000e+02 : f32
      %add3A_653 = vector.broadcast %add3A_652 : f32 to vector<16xf32>
      %add3A_654 = arith.addf %min3A_651, %add3A_653 : vector<16xf32>
      %convert_element_type3A_655 = arith.fptosi %add3A_654 : vector<16xf32> to vector<16xi32>
      %min3A_656 = arith.constant 599 : i32
      %min3A_657 = vector.broadcast %min3A_656 : i32 to vector<16xi32>
      %min3A_658 = arith.minsi %convert_element_type3A_655, %min3A_657 : vector<16xi32>
      %convert_element_type3A_659 = arith.sitofp %min3A_658 : vector<16xi32> to vector<16xf32>
      %sub3A_660 = arith.subf %add3A_654, %convert_element_type3A_659 : vector<16xf32>
      %sub3A_661 = arith.constant 1.000000e+00 : f32
      %sub3A_662 = vector.broadcast %sub3A_661 : f32 to vector<16xf32>
      %sub3A_663 = arith.subf %sub3A_662, %sub3A_660 : vector<16xf32>
      %add3A_664 = arith.constant 96 : i32
      %add3A_665 = vector.broadcast %add3A_664 : i32 to vector<16xi32>
      %add3A_666 = arith.addi %add3A_665, %iota3A : vector<16xi32>
      tpu.vector_store_idx %arg5[%min3A_658, %add3A_666], %sub3A_663 : memref<601x128xf32, #tpu.memory_space<vmem>>[vector<16xi32>, vector<16xi32>], vector<16xf32>,
      %add3A_667 = arith.constant 1 : i32
      %add3A_668 = vector.broadcast %add3A_667 : i32 to vector<16xi32>
      %add3A_669 = arith.addi %min3A_658, %add3A_668 : vector<16xi32>
      tpu.vector_store_idx %arg5[%add3A_669, %add3A_666], %sub3A_660 : memref<601x128xf32, #tpu.memory_space<vmem>>[vector<16xi32>, vector<16xi32>], vector<16xf32>,
      %swap3A_670 = arith.constant 6 : i32
      %swap3A_671 = arith.index_cast %swap3A_670 : i32 to index
      %swap3A_672 = arith.constant 0 : index
      %swap3A_673 = tpu.vector_load %arg6[%swap3A_671, %swap3A_672] {strides = array<i32>} : memref<8x16xi32, #tpu.memory_space<vmem>>, vector<16xi32>,
      tpu.vector_store %arg6[%swap3A_671, %swap3A_672], %min3A_658 {strides = array<i32>} : memref<8x16xi32, #tpu.memory_space<vmem>>, vector<16xi32>,
      %mul3A_674 = arith.constant 128 : i32
      %mul3A_675 = arith.muli %scan3A_17, %mul3A_674 : i32
      %add3A_676 = arith.constant 112 : i32
      %add3A_677 = arith.addi %mul3A_675, %add3A_676 : i32
      %get3A_678 = arith.index_cast %add3A_677 : i32 to index
      %get3A_679 = tpu.vector_load %arg4[%get3A_678] {strides = array<i32>} : memref<4096xf32, #tpu.memory_space<vmem>>, vector<16xf32>,
      %sign3A_680 = tpu.bitcast %get3A_679 : vector<16xf32> -> vector<16xi32>
      %sign3A_681 = arith.constant -2147483648 : i32
      %sign3A_682 = vector.broadcast %sign3A_681 : i32 to vector<16xi32>
      %sign3A_683 = arith.andi %sign3A_680, %sign3A_682 : vector<16xi32>
      %sign3A_684 = arith.constant 1065353216 : i32
      %sign3A_685 = vector.broadcast %sign3A_684 : i32 to vector<16xi32>
      %sign3A_686 = arith.ori %sign3A_685, %sign3A_683 : vector<16xi32>
      %sign3A_687 = tpu.bitcast %sign3A_686 : vector<16xi32> -> vector<16xf32>
      %sign3A_688 = math.absf %get3A_679 : vector<16xf32>
      %sign3A_689 = arith.constant 0.000000e+00 : f32
      %sign3A_690 = vector.broadcast %sign3A_689 : f32 to vector<16xf32>
      %sign3A_691 = arith.cmpf ogt, %sign3A_688, %sign3A_690 : vector<16xf32>
      %sign3A_692 = arith.select %sign3A_691, %sign3A_687, %get3A_679 : vector<16xi1>, vector<16xf32>
      %abs3A_693 = math.absf %get3A_679 : vector<16xf32>
      %add3A_694 = arith.constant 1.000000e+00 : f32
      %add3A_695 = vector.broadcast %add3A_694 : f32 to vector<16xf32>
      %add3A_696 = arith.addf %abs3A_693, %add3A_695 : vector<16xf32>
      %bitcast3A_697 = vector.bitcast %add3A_696 : vector<16xf32> to vector<16xi32>
      %shift_right_arithmetic3A_698 = arith.constant 1 : i32
      %shift_right_arithmetic3A_699 = vector.broadcast %shift_right_arithmetic3A_698 : i32 to vector<16xi32>
      %shift_right_arithmetic3A_700 = arith.shrsi %bitcast3A_697, %shift_right_arithmetic3A_699 : vector<16xi32>
      %sub3A_701 = arith.constant 1597463007 : i32
      %sub3A_702 = vector.broadcast %sub3A_701 : i32 to vector<16xi32>
      %sub3A_703 = arith.subi %sub3A_702, %shift_right_arithmetic3A_700 : vector<16xi32>
      %bitcast3A_704 = vector.bitcast %sub3A_703 : vector<16xi32> to vector<16xf32>
      %mul3A_705 = arith.constant 5.000000e-01 : f32
      %mul3A_706 = vector.broadcast %mul3A_705 : f32 to vector<16xf32>
      %mul3A_707 = arith.mulf %mul3A_706, %add3A_696 : vector<16xf32>
      %mul3A_708 = arith.mulf %mul3A_707, %bitcast3A_704 : vector<16xf32>
      %mul3A_709 = arith.mulf %mul3A_708, %bitcast3A_704 : vector<16xf32>
      %sub3A_710 = arith.constant 1.500000e+00 : f32
      %sub3A_711 = vector.broadcast %sub3A_710 : f32 to vector<16xf32>
      %sub3A_712 = arith.subf %sub3A_711, %mul3A_709 : vector<16xf32>
      %mul3A_713 = arith.mulf %bitcast3A_704, %sub3A_712 : vector<16xf32>
      %mul3A_714 = arith.constant 5.000000e-01 : f32
      %mul3A_715 = vector.broadcast %mul3A_714 : f32 to vector<16xf32>
      %mul3A_716 = arith.mulf %mul3A_715, %add3A_696 : vector<16xf32>
      %mul3A_717 = arith.mulf %mul3A_716, %mul3A_713 : vector<16xf32>
      %mul3A_718 = arith.mulf %mul3A_717, %mul3A_713 : vector<16xf32>
      %sub3A_719 = arith.constant 1.500000e+00 : f32
      %sub3A_720 = vector.broadcast %sub3A_719 : f32 to vector<16xf32>
      %sub3A_721 = arith.subf %sub3A_720, %mul3A_718 : vector<16xf32>
      %mul3A_722 = arith.mulf %mul3A_713, %sub3A_721 : vector<16xf32>
      %mul3A_723 = arith.constant 5.000000e-01 : f32
      %mul3A_724 = vector.broadcast %mul3A_723 : f32 to vector<16xf32>
      %mul3A_725 = arith.mulf %mul3A_724, %add3A_696 : vector<16xf32>
      %mul3A_726 = arith.mulf %mul3A_725, %mul3A_722 : vector<16xf32>
      %mul3A_727 = arith.mulf %mul3A_726, %mul3A_722 : vector<16xf32>
      %sub3A_728 = arith.constant 1.500000e+00 : f32
      %sub3A_729 = vector.broadcast %sub3A_728 : f32 to vector<16xf32>
      %sub3A_730 = arith.subf %sub3A_729, %mul3A_727 : vector<16xf32>
      %mul3A_731 = arith.mulf %mul3A_722, %sub3A_730 : vector<16xf32>
      %mul3A_732 = arith.mulf %add3A_696, %mul3A_731 : vector<16xf32>
      %sub3A_733 = arith.constant 1.000000e+00 : f32
      %sub3A_734 = vector.broadcast %sub3A_733 : f32 to vector<16xf32>
      %sub3A_735 = arith.subf %mul3A_732, %sub3A_734 : vector<16xf32>
      %mul3A_736 = arith.mulf %sign3A_692, %sub3A_735 : vector<16xf32>
      %mul3A_737 = arith.constant 1.000000e-03 : f32
      %mul3A_738 = vector.broadcast %mul3A_737 : f32 to vector<16xf32>
      %mul3A_739 = arith.mulf %mul3A_738, %get3A_679 : vector<16xf32>
      %add3A_740 = arith.addf %mul3A_736, %mul3A_739 : vector<16xf32>
      %max3A_741 = arith.constant -3.000000e+02 : f32
      %max3A_742 = vector.broadcast %max3A_741 : f32 to vector<16xf32>
      %max3A_743 = arith.maximumf %add3A_740, %max3A_742 : vector<16xf32>
      %min3A_744 = arith.constant 3.000000e+02 : f32
      %min3A_745 = vector.broadcast %min3A_744 : f32 to vector<16xf32>
      %min3A_746 = arith.minimumf %max3A_743, %min3A_745 : vector<16xf32>
      %add3A_747 = arith.constant 3.000000e+02 : f32
      %add3A_748 = vector.broadcast %add3A_747 : f32 to vector<16xf32>
      %add3A_749 = arith.addf %min3A_746, %add3A_748 : vector<16xf32>
      %convert_element_type3A_750 = arith.fptosi %add3A_749 : vector<16xf32> to vector<16xi32>
      %min3A_751 = arith.constant 599 : i32
      %min3A_752 = vector.broadcast %min3A_751 : i32 to vector<16xi32>
      %min3A_753 = arith.minsi %convert_element_type3A_750, %min3A_752 : vector<16xi32>
      %convert_element_type3A_754 = arith.sitofp %min3A_753 : vector<16xi32> to vector<16xf32>
      %sub3A_755 = arith.subf %add3A_749, %convert_element_type3A_754 : vector<16xf32>
      %sub3A_756 = arith.constant 1.000000e+00 : f32
      %sub3A_757 = vector.broadcast %sub3A_756 : f32 to vector<16xf32>
      %sub3A_758 = arith.subf %sub3A_757, %sub3A_755 : vector<16xf32>
      %add3A_759 = arith.constant 112 : i32
      %add3A_760 = vector.broadcast %add3A_759 : i32 to vector<16xi32>
      %add3A_761 = arith.addi %add3A_760, %iota3A : vector<16xi32>
      tpu.vector_store_idx %arg5[%min3A_753, %add3A_761], %sub3A_758 : memref<601x128xf32, #tpu.memory_space<vmem>>[vector<16xi32>, vector<16xi32>], vector<16xf32>,
      %add3A_762 = arith.constant 1 : i32
      %add3A_763 = vector.broadcast %add3A_762 : i32 to vector<16xi32>
      %add3A_764 = arith.addi %min3A_753, %add3A_763 : vector<16xi32>
      tpu.vector_store_idx %arg5[%add3A_764, %add3A_761], %sub3A_755 : memref<601x128xf32, #tpu.memory_space<vmem>>[vector<16xi32>, vector<16xi32>], vector<16xf32>,
      %swap3A_765 = arith.constant 7 : i32
      %swap3A_766 = arith.index_cast %swap3A_765 : i32 to index
      %swap3A_767 = arith.constant 0 : index
      %swap3A_768 = tpu.vector_load %arg6[%swap3A_766, %swap3A_767] {strides = array<i32>} : memref<8x16xi32, #tpu.memory_space<vmem>>, vector<16xi32>,
      tpu.vector_store %arg6[%swap3A_766, %swap3A_767], %min3A_753 {strides = array<i32>} : memref<8x16xi32, #tpu.memory_space<vmem>>, vector<16xi32>,
      %mul3A_769 = arith.constant 128 : i32
      %mul3A_770 = arith.muli %scan3A_17, %mul3A_769 : i32
      %add3A_771 = arith.addi %mul3A_2, %mul3A_770 : i32
      "tpu.region"() ({
        %run_scoped3A = tpu.sem_alloc : memref<!tpu.dma_semaphore, #tpu.memory_space<semaphore_mem>>
        %dma_start3A = arith.constant 0 : i32
        %dma_start3A_853 = tpu.memref_slice %arg3[%dma_start3A, %add3A_771] : memref<601x131072xf32, #tpu.memory_space<hbm>> -> memref<601x128xf32, #tpu.memory_space<hbm>>
        %dma_start3A_854 = arith.constant 0 : i32
        %dma_start3A_855 = tpu.memref_slice %arg3[%dma_start3A_854, %add3A_771] : memref<601x131072xf32, #tpu.memory_space<hbm>> -> memref<601x128xf32, #tpu.memory_space<hbm>>
        tpu.enqueue_dma source(%arg5 : memref<601x128xf32, #tpu.memory_space<vmem>>) target(%dma_start3A_855 : memref<601x128xf32, #tpu.memory_space<hbm>>) target_semaphore(%run_scoped3A : memref<!tpu.dma_semaphore, #tpu.memory_space<semaphore_mem>>)
        %dma_wait3A = arith.constant 0 : i32
        %dma_wait3A_856 = tpu.memref_slice %arg3[%dma_wait3A, %add3A_771] : memref<601x131072xf32, #tpu.memory_space<hbm>> -> memref<601x128xf32, #tpu.memory_space<hbm>>
        %dma_wait3A_857 = arith.constant 0 : i32
        %dma_wait3A_858 = tpu.memref_slice %arg3[%dma_wait3A_857, %add3A_771] : memref<601x131072xf32, #tpu.memory_space<hbm>> -> memref<601x128xf32, #tpu.memory_space<hbm>>
        tpu.wait_dma2 semaphore(%run_scoped3A : memref<!tpu.dma_semaphore, #tpu.memory_space<semaphore_mem>>) src(%arg5 : memref<601x128xf32, #tpu.memory_space<vmem>>) dst(%dma_wait3A_858 : memref<601x128xf32, #tpu.memory_space<hbm>>)
        tpu.yield
      }) : () -> ()
      %get3A_772 = arith.constant 0 : i32
      %get3A_773 = arith.index_cast %get3A_772 : i32 to index
      %get3A_774 = arith.constant 0 : index
      %get3A_775 = tpu.vector_load %arg6[%get3A_773, %get3A_774] {strides = array<i32>} : memref<8x16xi32, #tpu.memory_space<vmem>>, vector<16xi32>,
      %add3A_776 = arith.constant 0 : i32
      %add3A_777 = vector.broadcast %add3A_776 : i32 to vector<16xi32>
      %add3A_778 = arith.addi %add3A_777, %iota3A : vector<16xi32>
      tpu.vector_store_idx %arg5[%get3A_775, %add3A_778], %broadcast_in_dim3A_3 : memref<601x128xf32, #tpu.memory_space<vmem>>[vector<16xi32>, vector<16xi32>], vector<16xf32>,
      %add3A_779 = arith.constant 1 : i32
      %add3A_780 = vector.broadcast %add3A_779 : i32 to vector<16xi32>
      %add3A_781 = arith.addi %get3A_775, %add3A_780 : vector<16xi32>
      tpu.vector_store_idx %arg5[%add3A_781, %add3A_778], %broadcast_in_dim3A_3 : memref<601x128xf32, #tpu.memory_space<vmem>>[vector<16xi32>, vector<16xi32>], vector<16xf32>,
      %get3A_782 = arith.constant 1 : i32
      %get3A_783 = arith.index_cast %get3A_782 : i32 to index
      %get3A_784 = arith.constant 0 : index
      %get3A_785 = tpu.vector_load %arg6[%get3A_783, %get3A_784] {strides = array<i32>} : memref<8x16xi32, #tpu.memory_space<vmem>>, vector<16xi32>,
      %add3A_786 = arith.constant 16 : i32
      %add3A_787 = vector.broadcast %add3A_786 : i32 to vector<16xi32>
      %add3A_788 = arith.addi %add3A_787, %iota3A : vector<16xi32>
      tpu.vector_store_idx %arg5[%get3A_785, %add3A_788], %broadcast_in_dim3A_3 : memref<601x128xf32, #tpu.memory_space<vmem>>[vector<16xi32>, vector<16xi32>], vector<16xf32>,
      %add3A_789 = arith.constant 1 : i32
      %add3A_790 = vector.broadcast %add3A_789 : i32 to vector<16xi32>
      %add3A_791 = arith.addi %get3A_785, %add3A_790 : vector<16xi32>
      tpu.vector_store_idx %arg5[%add3A_791, %add3A_788], %broadcast_in_dim3A_3 : memref<601x128xf32, #tpu.memory_space<vmem>>[vector<16xi32>, vector<16xi32>], vector<16xf32>,
      %get3A_792 = arith.constant 2 : i32
      %get3A_793 = arith.index_cast %get3A_792 : i32 to index
      %get3A_794 = arith.constant 0 : index
      %get3A_795 = tpu.vector_load %arg6[%get3A_793, %get3A_794] {strides = array<i32>} : memref<8x16xi32, #tpu.memory_space<vmem>>, vector<16xi32>,
      %add3A_796 = arith.constant 32 : i32
      %add3A_797 = vector.broadcast %add3A_796 : i32 to vector<16xi32>
      %add3A_798 = arith.addi %add3A_797, %iota3A : vector<16xi32>
      tpu.vector_store_idx %arg5[%get3A_795, %add3A_798], %broadcast_in_dim3A_3 : memref<601x128xf32, #tpu.memory_space<vmem>>[vector<16xi32>, vector<16xi32>], vector<16xf32>,
      %add3A_799 = arith.constant 1 : i32
      %add3A_800 = vector.broadcast %add3A_799 : i32 to vector<16xi32>
      %add3A_801 = arith.addi %get3A_795, %add3A_800 : vector<16xi32>
      tpu.vector_store_idx %arg5[%add3A_801, %add3A_798], %broadcast_in_dim3A_3 : memref<601x128xf32, #tpu.memory_space<vmem>>[vector<16xi32>, vector<16xi32>], vector<16xf32>,
      %get3A_802 = arith.constant 3 : i32
      %get3A_803 = arith.index_cast %get3A_802 : i32 to index
      %get3A_804 = arith.constant 0 : index
      %get3A_805 = tpu.vector_load %arg6[%get3A_803, %get3A_804] {strides = array<i32>} : memref<8x16xi32, #tpu.memory_space<vmem>>, vector<16xi32>,
      %add3A_806 = arith.constant 48 : i32
      %add3A_807 = vector.broadcast %add3A_806 : i32 to vector<16xi32>
      %add3A_808 = arith.addi %add3A_807, %iota3A : vector<16xi32>
      tpu.vector_store_idx %arg5[%get3A_805, %add3A_808], %broadcast_in_dim3A_3 : memref<601x128xf32, #tpu.memory_space<vmem>>[vector<16xi32>, vector<16xi32>], vector<16xf32>,
      %add3A_809 = arith.constant 1 : i32
      %add3A_810 = vector.broadcast %add3A_809 : i32 to vector<16xi32>
      %add3A_811 = arith.addi %get3A_805, %add3A_810 : vector<16xi32>
      tpu.vector_store_idx %arg5[%add3A_811, %add3A_808], %broadcast_in_dim3A_3 : memref<601x128xf32, #tpu.memory_space<vmem>>[vector<16xi32>, vector<16xi32>], vector<16xf32>,
      %get3A_812 = arith.constant 4 : i32
      %get3A_813 = arith.index_cast %get3A_812 : i32 to index
      %get3A_814 = arith.constant 0 : index
      %get3A_815 = tpu.vector_load %arg6[%get3A_813, %get3A_814] {strides = array<i32>} : memref<8x16xi32, #tpu.memory_space<vmem>>, vector<16xi32>,
      %add3A_816 = arith.constant 64 : i32
      %add3A_817 = vector.broadcast %add3A_816 : i32 to vector<16xi32>
      %add3A_818 = arith.addi %add3A_817, %iota3A : vector<16xi32>
      tpu.vector_store_idx %arg5[%get3A_815, %add3A_818], %broadcast_in_dim3A_3 : memref<601x128xf32, #tpu.memory_space<vmem>>[vector<16xi32>, vector<16xi32>], vector<16xf32>,
      %add3A_819 = arith.constant 1 : i32
      %add3A_820 = vector.broadcast %add3A_819 : i32 to vector<16xi32>
      %add3A_821 = arith.addi %get3A_815, %add3A_820 : vector<16xi32>
      tpu.vector_store_idx %arg5[%add3A_821, %add3A_818], %broadcast_in_dim3A_3 : memref<601x128xf32, #tpu.memory_space<vmem>>[vector<16xi32>, vector<16xi32>], vector<16xf32>,
      %get3A_822 = arith.constant 5 : i32
      %get3A_823 = arith.index_cast %get3A_822 : i32 to index
      %get3A_824 = arith.constant 0 : index
      %get3A_825 = tpu.vector_load %arg6[%get3A_823, %get3A_824] {strides = array<i32>} : memref<8x16xi32, #tpu.memory_space<vmem>>, vector<16xi32>,
      %add3A_826 = arith.constant 80 : i32
      %add3A_827 = vector.broadcast %add3A_826 : i32 to vector<16xi32>
      %add3A_828 = arith.addi %add3A_827, %iota3A : vector<16xi32>
      tpu.vector_store_idx %arg5[%get3A_825, %add3A_828], %broadcast_in_dim3A_3 : memref<601x128xf32, #tpu.memory_space<vmem>>[vector<16xi32>, vector<16xi32>], vector<16xf32>,
      %add3A_829 = arith.constant 1 : i32
      %add3A_830 = vector.broadcast %add3A_829 : i32 to vector<16xi32>
      %add3A_831 = arith.addi %get3A_825, %add3A_830 : vector<16xi32>
      tpu.vector_store_idx %arg5[%add3A_831, %add3A_828], %broadcast_in_dim3A_3 : memref<601x128xf32, #tpu.memory_space<vmem>>[vector<16xi32>, vector<16xi32>], vector<16xf32>,
      %get3A_832 = arith.constant 6 : i32
      %get3A_833 = arith.index_cast %get3A_832 : i32 to index
      %get3A_834 = arith.constant 0 : index
      %get3A_835 = tpu.vector_load %arg6[%get3A_833, %get3A_834] {strides = array<i32>} : memref<8x16xi32, #tpu.memory_space<vmem>>, vector<16xi32>,
      %add3A_836 = arith.constant 96 : i32
      %add3A_837 = vector.broadcast %add3A_836 : i32 to vector<16xi32>
      %add3A_838 = arith.addi %add3A_837, %iota3A : vector<16xi32>
      tpu.vector_store_idx %arg5[%get3A_835, %add3A_838], %broadcast_in_dim3A_3 : memref<601x128xf32, #tpu.memory_space<vmem>>[vector<16xi32>, vector<16xi32>], vector<16xf32>,
      %add3A_839 = arith.constant 1 : i32
      %add3A_840 = vector.broadcast %add3A_839 : i32 to vector<16xi32>
      %add3A_841 = arith.addi %get3A_835, %add3A_840 : vector<16xi32>
      tpu.vector_store_idx %arg5[%add3A_841, %add3A_838], %broadcast_in_dim3A_3 : memref<601x128xf32, #tpu.memory_space<vmem>>[vector<16xi32>, vector<16xi32>], vector<16xf32>,
      %get3A_842 = arith.constant 7 : i32
      %get3A_843 = arith.index_cast %get3A_842 : i32 to index
      %get3A_844 = arith.constant 0 : index
      %get3A_845 = tpu.vector_load %arg6[%get3A_843, %get3A_844] {strides = array<i32>} : memref<8x16xi32, #tpu.memory_space<vmem>>, vector<16xi32>,
      %add3A_846 = arith.constant 112 : i32
      %add3A_847 = vector.broadcast %add3A_846 : i32 to vector<16xi32>
      %add3A_848 = arith.addi %add3A_847, %iota3A : vector<16xi32>
      tpu.vector_store_idx %arg5[%get3A_845, %add3A_848], %broadcast_in_dim3A_3 : memref<601x128xf32, #tpu.memory_space<vmem>>[vector<16xi32>, vector<16xi32>], vector<16xf32>,
      %add3A_849 = arith.constant 1 : i32
      %add3A_850 = vector.broadcast %add3A_849 : i32 to vector<16xi32>
      %add3A_851 = arith.addi %get3A_845, %add3A_850 : vector<16xi32>
      tpu.vector_store_idx %arg5[%add3A_851, %add3A_848], %broadcast_in_dim3A_3 : memref<601x128xf32, #tpu.memory_space<vmem>>[vector<16xi32>, vector<16xi32>], vector<16xf32>,
      %scan3A_852 = arith.constant 0 : i32
      scf.yield %scan3A_852 : i32
    }
    %scan3A_16 = arith.constant 32 : i32
    return
  }
}

</mosaic_0001>

<sc_bundles>
// kernel: kernel.3.cloned.1.call-start
scs
__scs_entry_jumppad:
0x0: {  	(pc) =	sbr.rel $0x88, $3  }
0x1: {  	(tag) =	ssettag $0x0;
	lr =	simm.s32 $0x1  }
0x2: {  	[smem:$0x3FA0] =	sst lr;
	_ =	strace $0xD0000000  }
0x3: {  	_ = 	snop  }
0x4: {  	_ = 	snop  }
0x5: {  	_ = 	snop  }
0x6: {  	_ = 	snop  }
0x7: {  	_ = 	snop  }
__scs_overlays_trampoline_lowered:
0x8: {  	[smem:$0x3FAF] =	sst s0  }
0x9: {  	[smem:$0x3FB0] =	sst s1  }
0xa: {  	[smem:$0x3FB1] =	sst s2  }
0xb: {  	[smem:$0x3FB2] =	sst s3  }
0xc: {  	[smem:$0x3FB3] =	sst s4  }
0xd: {  	[smem:$0x3FB4] =	sst s5  }
0xe: {  	[smem:$0x3FB5] =	sst s6  }
0xf: {  	[smem:$0x3FB6] =	sst s7  }
0x10: {  	[smem:$0x3FB7] =	sst s8  }
0x11: {  	[smem:$0x3FB8] =	sst s9;
	s0 =	simm.s32 @!p0 $0x0  }
0x12: {  	s1 =	sld [smem:$0x3F9E];
	s0 =	simm.s32 @p0 $0x1  }
0x13: {  	[smem:$0x3FB9] =	sst s0;
	s0 =	simm.s32 @!p1 $0x0  }
0x14: {  	s2 =	sld [smem:$0x3F9D];
	s0 =	simm.s32 @p1 $0x1  }
0x15: {  	[smem:$0x3FBA] =	sst s0;
	s0 =	simm.s32 @!p2 $0x0  }
0x16: {  	s3 =	sld [smem:$0x3FDB];
	s0 =	simm.s32 @p2 $0x1  }
0x17: {  	s4 =	simm.s32 $0x1BF5;
	[smem:$0x3FBC] =	sst s0  }
0x18: {  	s0 =	sld [smem:$0x3F9F];
	_ =	swait.ge [sflag:s4], $0x0  }
0x19: {  	s7 =	sld [smem:$0x3FA0]  }
0x1a: {  	s8 =	sadd.s32 $0xFFFFE003, lr  }
0x1b: {  	s9 =	sadd.s32 $0xFFFFFEF7, lr;
	s5 =	simm.s32 $0xFFFFFFFF;
	p2 =	slt.u32 s8, $0xFFFFF086  }
0x1c: {  	p1 =	slt.u32 s9, $0xF7A;
	s5 =	simm.s32 @!p2 $0x0  }
0x1d: {  	s5 =	simm.s32 @p1 $0x1;
	p0 =	seq.s32 s7, s2  }
0x1e: {  	s7 =	smul.u32 @!p0 $0xF7A, s2;
	p2 =	seq.s32 @!p0 s5, $0x0  }
0x1f: {  	s9 =	smul.u32 $0xF7A, s1;
	s8 =	simm.s32 @!p0 $0x1BF5;
	p2 =	por !p2, p0  }
0x20: {  	[sflag:s8] =	ssyncset.s32 @!p0 $0xFFFFF086;
	s6 =	sadd.s32 @!p0 s3, s7;
	s7 =	simm.s32 @!p0 $0x108  }
0x21: {  	s3 =	sadd.s32 s3, s9;
	s6 =	sadd.s32 @!p0 $0x88, s6;
	s7 =	simm.s32 @p2 $0x1082  }
0x22: {  	[simem:s7], [sflag:s8] =	dma.local @!p0 [hbm:s6], $0xF7A  }
0x23: {  	s9 =	sor.u32 $0xD0000000, s2;
	s6 =	simm.s32 $0x108;
	_ =	swait.ge @!p0 [sflag:s8], $0x0  }
0x24: {  	s3 =	sadd.s32 $0x88, s3;
	s6 =	simm.s32 @!p1 $0x1082;
	[sflag:s4] =	ssyncset.s32 $0xFFFFF086  }
0x25: {  	[simem:s6], [sflag:s4] =	dma.local [hbm:s3], $0xF7A  }
0x26: {  	[smem:$0x3FA0] =	sst s1;
	(tag) =	ssettag s2;
	_ =	strace s9  }
0x27: {  	s1 =	sld [smem:$0x3FB0]  }
0x28: {  	s2 =	sld [smem:$0x3FB1]  }
0x29: {  	s4 =	sld [smem:$0x3FB3]  }
0x2a: {  	p0 =	seq.s32 s5, $0x0;
	s5 =	sld [smem:$0x3FB4]  }
0x2b: {  	s6 =	sld [smem:$0x3FB5]  }
0x2c: {  	s7 =	sld [smem:$0x3FB6]  }
0x2d: {  	s3 =	simm.s32 $0x108;
	s8 =	sld [smem:$0x3FB7]  }
0x2e: {  	s3 =	simm.s32 @!p0 $0x1082;
	s9 =	sld [smem:$0x3FB8]  }
0x2f: {  	lr =	sadd.s32 s0, s3;
	s0 =	sld [smem:$0x3FAF]  }
0x30: {  	s3 =	sld [smem:$0x3FB2]  }
0x31: {  	[smem:$0x3FBB] =	sst s10  }
0x32: {  	s10 =	sld [smem:$0x3FB9];
	_ =	sdelay $0x3  }
0x33: {  	p0 =	seq.s32 s10, $0x1;
	s10 =	sld [smem:$0x3FBB];
	_ =	sdelay $0x3  }
0x34: {  	[smem:$0x3FBB] =	sst s10  }
0x35: {  	s10 =	sld [smem:$0x3FBA];
	_ =	sdelay $0x3  }
0x36: {  	p1 =	seq.s32 s10, $0x1;
	s10 =	sld [smem:$0x3FBB];
	_ =	sdelay $0x3  }
0x37: {  	[smem:$0x3FBB] =	sst s10  }
0x38: {  	s10 =	sld [smem:$0x3FBC]  }
0x39: {  	_ = 	snop;
	(pc) =	sbr.ind lr, $3  }
0x3a: {  	_ = 	snop  }
0x3b: {  	_ = 	snop  }
0x3c: {  	p2 =	seq.s32 s10, $0x1;
	s10 =	sld [smem:$0x3FBB]  }
0x3d: {  	_ =	shalt  }
0x3e: {  	_ =	shalt  }
0x3f: {  	_ =	shalt  }
0x40: {  	_ =	shalt  }
0x41: {  	_ =	shalt  }
0x42: {  	_ =	shalt  }
0x43: {  	_ =	shalt  }
0x44: {  	_ =	shalt  }
0x45: {  	_ =	shalt  }
0x46: {  	_ =	shalt  }
0x47: {  	_ =	shalt  }
0x48: {  	_ =	shalt  }
0x49: {  	_ =	shalt  }
0x4a: {  	_ =	shalt  }
0x4b: {  	_ =	shalt  }
0x4c: {  	_ =	shalt  }
0x4d: {  	_ =	shalt  }
0x4e: {  	_ =	shalt  }
0x4f: {  	_ =	shalt  }
0x50: {  	_ =	shalt  }
0x51: {  	_ =	shalt  }
0x52: {  	_ =	shalt  }
0x53: {  	_ =	shalt  }
0x54: {  	_ =	shalt  }
0x55: {  	_ =	shalt  }
0x56: {  	_ =	shalt  }
0x57: {  	_ =	shalt  }
0x58: {  	_ =	shalt  }
0x59: {  	_ =	shalt  }
0x5a: {  	_ =	shalt  }
0x5b: {  	_ =	shalt  }
0x5c: {  	_ =	shalt  }
0x5d: {  	_ =	shalt  }
0x5e: {  	_ =	shalt  }
0x5f: {  	_ =	shalt  }
0x60: {  	_ =	shalt  }
0x61: {  	_ =	shalt  }
0x62: {  	_ =	shalt  }
0x63: {  	_ =	shalt  }
0x64: {  	_ =	shalt  }
0x65: {  	_ =	shalt  }
0x66: {  	_ =	shalt  }
0x67: {  	_ =	shalt  }
0x68: {  	_ =	shalt  }
0x69: {  	_ =	shalt  }
0x6a: {  	_ =	shalt  }
0x6b: {  	_ =	shalt  }
0x6c: {  	_ =	shalt  }
0x6d: {  	_ =	shalt  }
0x6e: {  	_ =	shalt  }
0x6f: {  	_ =	shalt  }
0x70: {  	_ =	shalt  }
0x71: {  	_ =	shalt  }
0x72: {  	_ =	shalt  }
0x73: {  	_ =	shalt  }
0x74: {  	_ =	shalt  }
0x75: {  	_ =	shalt  }
0x76: {  	_ =	shalt  }
0x77: {  	_ =	shalt  }
0x78: {  	_ =	shalt  }
0x79: {  	_ =	shalt  }
0x7a: {  	_ =	shalt  }
0x7b: {  	_ =	shalt  }
0x7c: {  	_ =	shalt  }
0x7d: {  	_ =	shalt  }
0x7e: {  	_ =	shalt  }
0x7f: {  	_ =	shalt  }
0x80: {  	_ =	shalt  }
0x81: {  	_ =	shalt  }
0x82: {  	_ =	shalt  }
0x83: {  	_ =	shalt  }
0x84: {  	_ =	shalt  }
0x85: {  	_ =	shalt  }
0x86: {  	_ =	shalt  }
0x87: {  	_ =	shalt  }
.Lfunc_end0:
.L_simem_size_0:
called_computation_lowered:
.L_overlay_start_0:
0x88: {  	s2 =	sld [smem:$0x3FD9]  }
0x89: {  	s3 =	sld [smem:$0x3FFE];
	_ =	sdelay $0x1  }
0x8a: {  	s1 =	srdreg.scid  }
0x8b: {  	s0 =	sand.u32 $0x1, s1  }
0x8c: {  	s18 =	sshll.u32 s0, $0xA;
	s2 =	sadd.s32 s3, s2  }
0x8d: {  	s2 =	sadd.s32 s2, s18  }
0x8e: {  	[smem:$0x3FC7] =	sst s2  }
0x8f: {  	_ = 	snop  }
0x90: {  	s2 =	sld [smem:$0x3FC9]  }
0x91: {  	s19 =	sld [smem:$0x3FD0];
	(tm) =	ssettm $0x1  }
0x92: {  	s4 =	sld [smem:$0x3FFB];
	_ =	sdelay $0x3  }
0x93: {  	_ =	strace s4  }
0x94: {  	s4 =	sld [smem:$0x3FFC];
	_ =	sdelay $0x3  }
0x95: {  	_ =	strace s4  }
0x96: {  	s4 =	sld [smem:$0x3FFD];
	_ =	sdelay $0x3  }
0x97: {  	_ =	strace s4  }
0x98: {  	_ =	strace $0x8FFFFFFF  }
0x99: {  	s20 =	sld [smem:$0x3FDB];
	_ =	sdelay $0x1  }
0x9a: {  	s5 =	simm.s32 $_scs_section_size  }
0x9b: {  	s6 =	simm.s32 $_size__tile_overlayer_lowered;
	s7 =	simm.s32 $_tile_overlayer_lowered  }
0x9c: {  	s23 =	simm.s32 $0x1BFF;
	s22 =	sshll.u32 s7, $0x1;
	s4 =	sadd.s32 s5, s20  }
0x9d: {  	s8 =	simm.s32 $0x0;
	s21 =	sshll.u32 s6, $0x1;
	s6 =	sadd.s32 s22, s4  }
0x9e: {  	[timem:s8], [sflag:s23] =	dma.local [hbm:s6], s21  }
0x9f: {  	_ =	swait.ge [sflag:s23], s21  }
0xa0: {  	s5 =	ssub.s32 $0x0, s21;
	[sflag:s23] =	ssyncset.done $0x0  }
0xa1: {  	[sflag:s23] =	ssyncadd.s32 s5;
	_ =	sdelay $0x1  }
0xa2: {  	s24 =	simm.s32 $0x1B8B  }
0xa3: {  	_ =	swait.ge [sflag:s24], $0x1  }
0xa4: {  	[sflag:s24] =	ssyncset.done $0x0  }
0xa5: {  	s25 =	simm.s32 $0x1B8E;
	[sflag:s24] =	ssyncadd.s32 $0xFFFFFFFF  }
0xa6: {  	s26 =	simm.s32 $execute0_lowered;
	[smem:$0x3FD2] =	sst s25  }
0xa7: {  	s5 =	sshll.u32 s26, $0x1;
	_ =	strace $0x80000046;
	[dreg:$0x1] =	wrdreg $0xFFFFFFFF  }
0xa8: {  	s28 =	simm.s32 $_size_execute0_lowered;
	s4 =	sadd.s32 s4, s5;
	[dreg:$0x0] =	wrdreg $0x0  }
0xa9: {  	s5 =	sshll.u32 s28, $0x1;
	[dreg:$0x2] =	wrdreg s4  }
0xaa: {  	[dreg:$0x3] =	wrdreg s5  }
0xab: {  	[dreg:$0x4] =	wrdreg $0xC0  }
0xac: {  	_ =	task [dreg:s8], $0x5FFFF  }
0xad: {  	[dreg:$0x1] =	wrdreg $0xFFFFFFFF  }
0xae: {  	[dreg:$0x0] =	wrdreg $0x60  }
0xaf: {  	[dreg:$0x2] =	wrdreg s2  }
0xb0: {  	[dreg:$0x3] =	wrdreg s19  }
0xb1: {  	[dreg:$0x4] =	wrdreg $0x9  }
0xb2: {  	_ =	task.clear_ibuf [dreg:s8], $0x5FFFF;
	_ =	strace $0x90000046  }
0xb3: {  	s29 =	simm.s32 $0x9;
	_ =	strace $0x80000048  }
0xb4: {  	_ =	swait.ge [sflag:s29], $0x1  }
0xb5: {  	[sflag:s29] =	ssyncadd.s32 $0xFFFFFFFF  }
0xb6: {  	_ =	strace $0x90000048  }
0xb7: {  	_ =	sfence  }
0xb8: {  	s30 =	sld [smem:$0x0];
	_ =	sdelay $0x2  }
0xb9: {  	s31 =	sshll.u32 s1, $0xD;
	s1 =	sshrl.u32 s1, $0x2  }
0xba: {  	s3 =	sand.u32 $0x4000, s31;
	s1 =	sadd.s32 s1, s30  }
0xbb: {  	s0 =	sor.u32 s3, s0;
	s1 =	sshll.u32 s1, $0x11  }
0xbc: {  	s0 =	sor.u32 s1, s0  }
0xbd: {  	s0 =	sadd.s32 $0x8F2B, s0  }
0xbe: {  	[sflag:s0] =	ssyncadd.remote.s32 $0x1  }
0xbf: {  	_ =	sfence.sel $0xFFFF  }
0xc0: {  	[dreg:$0x0] =	wrdreg $0xFFFFFFFF;
	(pc) =	sbr.abs _section_cstart, $3  }
0xc1: {  	[dreg:$0x1] =	wrdreg $0xFFFFFFFF  }
0xc2: {  	_ =	task.clear_ibuf [dreg:s8], $0x2FFFF;
	_ =	strace $0x9FFFFFFF  }
0xc3: {  	(tm) =	ssettm $0x7FFFFFFF  }
tec
execute0_lowered:
.L_overlay_start_1:
0x0: {  	(tag) =	ssettag $0x1  }
0x1: {  	s3 =	rddreg [dreg:$0x0]  }
0x2: {  	s4 =	rddreg [dreg:$0x1]  }
0x3: {  	s0 =	rddreg [dreg:$0x2];
	s2 =	simm.s32 $0x0;
	s5 =	srdreg.scid  }
0x4: {  	s1 =	stileid.u32;
	v1 =	vimm.f32 $1.000000000e+00;
	s10 =	simm.s32 $0x13C00;
	s11 =	simm.s32 $0x0  }
0x5: {  	v0 =	vimm.f32 $0.0e+00;
	v2 =	vlaneseq.u32;
	[smem:$0x7FF] =	sst s2;
	s5 =	sand.u32 $0x1, s5;
	s7 =	sshll.u32 s1, $0xD;
	v1 =	vand.u32 $0x7FFFFFFF, v1  }
0x6: {  	v3 =	vor.u32 $0x80, v2;
	v4 =	vor.u32 $0x10, v2;
	v5 =	vor.u32 $0x90, v2;
	s6 =	ssub.s32 $0x2, s5;
	s5 =	sshll.u32 s5, $0xC;
	_ =	strace $0x80000047  }
0x7: {  	v6 =	vor.u32 $0x20, v2;
	v7 =	vor.u32 $0xA0, v2;
	v8 =	vor.u32 $0x30, v2;
	s8 =	sshrl.u32 s6, $0x1;
	s9 =	sor.u32 s5, s7;
	s7 =	sadd.s32 s7, s4  }
0x8: {  	v9 =	vor.u32 $0xB0, v2;
	v10 =	vor.u32 $0x40, v2;
	v11 =	vor.u32 $0xC0, v2;
	s6 =	ssub.s32 s6, s8;
	s31 =	sshrl.u32 s9, $0x3;
	s5 =	sadd.s32 s5, s7  }
0x9: {  	v12 =	vor.u32 $0x50, v2;
	v13 =	vor.u32 $0xD0, v2;
	v14 =	vor.u32 $0x60, v2;
	s7 =	simm.s32 $0x1000;
	s8 =	simm.s32 $0x400;
	s9 =	simm.s32 $0x100000  }
0xa: {  	v15 =	vor.u32 $0xE0, v2;
	v16 =	vor.u32 $0x70, v2;
	v17 =	vor.u32 $0xF0, v2;
	s3 =	sadd.s32 s3, s31;
	s4 =	smax.u32 s6, $0x1;
	s6 =	simm.s32 $0x1  }
.LBB2_1:
0xb: {  	[tilespmem:s2], [sflag:$0x1] =	stream.linear.gather [hbm4b:s3+s2], $0x1000, $0x38;
	[tilespmem:$0x14400] =	vst v63  }
0xc: {  	_ =	swait.ge [sflag:s6], $0x1000  }
0xd: {  	[sflag:s6] =	ssyncset.done $0x0  }
0xe: {  	s12 =	simm.s32 $0x0;
	s13 =	simm.s32 $0x200;
	[sflag:s6] =	ssyncadd.s32 $0xFFFFF000  }
.LBB2_2:
0xf: {  	p0 =	sne.s32 s13, $0x4B000;
	[tilespmem:s12+$0x1070] =	vst v0  }
0x10: {  	[tilespmem:s12+$0x1000] =	vst v0  }
0x11: {  	[tilespmem:s12+$0x1010] =	vst v0  }
.Ltmp0:
0x12: {  	[tilespmem:s12+$0x1020] =	vst v0;
	(pc) =	sbr.rel @p0 .LBB2_2-.Ltmp0, $4  }
0x13: {  	[tilespmem:s12+$0x1030] =	vst v0  }
0x14: {  	[tilespmem:s12+$0x1040] =	vst v0  }
0x15: {  	[tilespmem:s12+$0x1050] =	vst v0  }
0x16: {  	[tilespmem:s12+$0x1060] =	vst v0;
	s12 =	sshra.s32 s13, $0x2;
	s13 =	sadd.s32 $0x200, s13  }
0x17: {  	[tilespmem:s12+$0x1070] =	vst v0  }
0x18: {  	[tilespmem:s12+$0x1000] =	vst v0  }
0x19: {  	[tilespmem:s12+$0x1010] =	vst v0  }
0x1a: {  	[tilespmem:s12+$0x1020] =	vst v0  }
0x1b: {  	[tilespmem:s12+$0x1030] =	vst v0  }
0x1c: {  	[tilespmem:s12+$0x1040] =	vst v0  }
0x1d: {  	[tilespmem:s12+$0x1050] =	vst v0  }
0x1e: {  	[tilespmem:s12+$0x1060] =	vst v0;
	s12 =	simm.s32 $0x0;
	s13 =	simm.s32 $0x40  }
.LBB2_4:
0x1f: {  	v18 =	vld [tilespmem:s13+$0xFFFFFFC0];
	_ =	sdelay $0x4  }
0x20: {  	v19 =	vand.u32 $0x7FFFFFFF, v18  }
0x21: {  	v19 =	vadd.f32 $1.000000000e+00, v19;
	_ =	sdelay $0x1  }
0x22: {  	v20 =	vshra.s32 v19, $0x1;
	v21 =	vmul.f32 $5.000000000e-01, v19  }
0x23: {  	v20 =	vsub.s32 $0x5F3759DF, v20  }
0x24: {  	v22 =	vmul.f32 v20, v21;
	_ =	sdelay $0x1  }
0x25: {  	v22 =	vmul.f32 v20, v22;
	_ =	sdelay $0x1  }
0x26: {  	v22 =	vsub.f32 $1.500000000e+00, v22;
	_ =	sdelay $0x1  }
0x27: {  	v20 =	vmul.f32 v20, v22;
	_ =	sdelay $0x1  }
0x28: {  	v22 =	vmul.f32 v20, v21;
	_ =	sdelay $0x1  }
0x29: {  	v22 =	vmul.f32 v22, v20;
	_ =	sdelay $0x1  }
0x2a: {  	v22 =	vsub.f32 $1.500000000e+00, v22;
	_ =	sdelay $0x1  }
0x2b: {  	v20 =	vmul.f32 v22, v20;
	_ =	sdelay $0x1  }
0x2c: {  	v21 =	vmul.f32 v20, v21;
	_ =	sdelay $0x1  }
0x2d: {  	v21 =	vmul.f32 v21, v20;
	_ =	sdelay $0x1  }
0x2e: {  	v21 =	vsub.f32 $1.500000000e+00, v21;
	_ =	sdelay $0x1  }
0x2f: {  	v20 =	vmul.f32 v21, v20;
	_ =	sdelay $0x1  }
0x30: {  	v19 =	vmul.f32 v20, v19  }
0x31: {  	v35 =	vand.u32 $0x80000000, v18;
	vm0 =	vlt.f32 v18, $0.0e+00;
	vm1 =	vgt.f32 v18, $0.0e+00  }
0x32: {  	vm0 =	vmor vm1, vm0;
	v20 =	vor.u32 v35, v1;
	v19 =	vadd.f32 $-1.000000000e+00, v19  }
0x33: {  	v20 =	vsel vm0, v20, v18  }
0x34: {  	v18 =	vmul.f32 $1.000000050e-03, v18;
	v19 =	vmul.f32 v19, v20;
	_ =	sdelay $0x1  }
0x35: {  	v18 =	vadd.f32 v19, v18;
	_ =	sdelay $0x1  }
0x36: {  	v18 =	vmax.f32 v18, $-3.000000000e+02  }
0x37: {  	v18 =	vmin.f32 v18, $3.000000000e+02  }
0x38: {  	v18 =	vadd.f32 $3.000000000e+02, v18;
	_ =	sdelay $0x1  }
0x39: {  	v19 =	vtrunc.f32 v18  }
0x3a: {  	v19 =	vcvt.f32.s32 v19;
	_ =	sdelay $0x1  }
0x3b: {  	vm6 =	vlt.s32 v19, $0x257  }
0x3c: {  	v19 =	vnsel vm6, $0x257, v19  }
0x3d: {  	v36 =	vcvt.s32.f32 v19;
	v37 =	vshll.u32 v19, $0x7  }
0x3e: {  	v38 =	vor.u32 v2, v37  }
0x3f: {  	v39 =	vadd.s32 v3, v37;
	v18 =	vsub.f32 v18, v36;
	_ =	sdelay $0x1  }
0x40: {  	v40 =	vsub.f32 $1.000000000e+00, v18;
	_ =	sdelay $0x1  }
0x41: {  	[tilespmem:v38+s7+$0x0] =	vst.idx.msk $0xffff, v40  }
0x42: {  	[tilespmem:v39+s7+$0x0] =	vst.idx.msk $0xffff, v18  }
0x43: {  	[tilespmem:$0x14000] =	vst v19  }
0x44: {  	v18 =	vld [tilespmem:s13+$0xFFFFFFD0];
	_ =	sdelay $0x4  }
0x45: {  	v19 =	vand.u32 $0x7FFFFFFF, v18  }
0x46: {  	v19 =	vadd.f32 $1.000000000e+00, v19;
	_ =	sdelay $0x1  }
0x47: {  	v41 =	vshra.s32 v19, $0x1;
	v42 =	vmul.f32 $5.000000000e-01, v19  }
0x48: {  	v20 =	vsub.s32 $0x5F3759DF, v41  }
0x49: {  	v43 =	vmul.f32 v20, v42;
	_ =	sdelay $0x1  }
0x4a: {  	v22 =	vmul.f32 v20, v43;
	_ =	sdelay $0x1  }
0x4b: {  	v22 =	vsub.f32 $1.500000000e+00, v22;
	_ =	sdelay $0x1  }
0x4c: {  	v20 =	vmul.f32 v20, v22;
	_ =	sdelay $0x1  }
0x4d: {  	v22 =	vmul.f32 v20, v42;
	_ =	sdelay $0x1  }
0x4e: {  	v22 =	vmul.f32 v22, v20;
	_ =	sdelay $0x1  }
0x4f: {  	v22 =	vsub.f32 $1.500000000e+00, v22;
	_ =	sdelay $0x1  }
0x50: {  	v20 =	vmul.f32 v22, v20;
	_ =	sdelay $0x1  }
0x51: {  	v21 =	vmul.f32 v20, v42;
	_ =	sdelay $0x1  }
0x52: {  	v21 =	vmul.f32 v21, v20;
	_ =	sdelay $0x1  }
0x53: {  	v21 =	vsub.f32 $1.500000000e+00, v21;
	_ =	sdelay $0x1  }
0x54: {  	v20 =	vmul.f32 v21, v20;
	_ =	sdelay $0x1  }
0x55: {  	v19 =	vmul.f32 v20, v19  }
0x56: {  	v44 =	vand.u32 $0x80000000, v18;
	vm7 =	vlt.f32 v18, $0.0e+00;
	vm8 =	vgt.f32 v18, $0.0e+00  }
0x57: {  	vm0 =	vmor vm8, vm7;
	v20 =	vor.u32 v44, v1;
	v19 =	vadd.f32 $-1.000000000e+00, v19  }
0x58: {  	v20 =	vsel vm0, v20, v18  }
0x59: {  	v18 =	vmul.f32 $1.000000050e-03, v18;
	v19 =	vmul.f32 v19, v20;
	_ =	sdelay $0x1  }
0x5a: {  	v18 =	vadd.f32 v19, v18;
	_ =	sdelay $0x1  }
0x5b: {  	v18 =	vmax.f32 v18, $-3.000000000e+02  }
0x5c: {  	v18 =	vmin.f32 v18, $3.000000000e+02  }
0x5d: {  	v18 =	vadd.f32 $3.000000000e+02, v18;
	_ =	sdelay $0x1  }
0x5e: {  	v19 =	vtrunc.f32 v18  }
0x5f: {  	v19 =	vcvt.f32.s32 v19;
	_ =	sdelay $0x1  }
0x60: {  	vm9 =	vlt.s32 v19, $0x257  }
0x61: {  	v19 =	vnsel vm9, $0x257, v19  }
0x62: {  	v45 =	vcvt.s32.f32 v19;
	v46 =	vshll.u32 v19, $0x7  }
0x63: {  	v47 =	vor.u32 v4, v46  }
0x64: {  	v48 =	vadd.s32 v5, v46;
	v18 =	vsub.f32 v18, v45;
	_ =	sdelay $0x1  }
0x65: {  	v49 =	vsub.f32 $1.000000000e+00, v18;
	_ =	sdelay $0x1  }
0x66: {  	[tilespmem:v47+s7+$0x0] =	vst.idx.msk $0xffff, v49  }
0x67: {  	[tilespmem:v48+s7+$0x0] =	vst.idx.msk $0xffff, v18  }
0x68: {  	[tilespmem:$0x14080] =	vst v19  }
0x69: {  	v18 =	vld [tilespmem:s13+$0xFFFFFFE0];
	_ =	sdelay $0x4  }
0x6a: {  	v19 =	vand.u32 $0x7FFFFFFF, v18  }
0x6b: {  	v19 =	vadd.f32 $1.000000000e+00, v19;
	_ =	sdelay $0x1  }
0x6c: {  	v50 =	vshra.s32 v19, $0x1;
	v51 =	vmul.f32 $5.000000000e-01, v19  }
0x6d: {  	v20 =	vsub.s32 $0x5F3759DF, v50  }
0x6e: {  	v52 =	vmul.f32 v20, v51;
	_ =	sdelay $0x1  }
0x6f: {  	v22 =	vmul.f32 v20, v52;
	_ =	sdelay $0x1  }
0x70: {  	v22 =	vsub.f32 $1.500000000e+00, v22;
	_ =	sdelay $0x1  }
0x71: {  	v20 =	vmul.f32 v20, v22;
	_ =	sdelay $0x1  }
0x72: {  	v22 =	vmul.f32 v20, v51;
	_ =	sdelay $0x1  }
0x73: {  	v22 =	vmul.f32 v22, v20;
	_ =	sdelay $0x1  }
0x74: {  	v22 =	vsub.f32 $1.500000000e+00, v22;
	_ =	sdelay $0x1  }
0x75: {  	v20 =	vmul.f32 v22, v20;
	_ =	sdelay $0x1  }
0x76: {  	v21 =	vmul.f32 v20, v51;
	_ =	sdelay $0x1  }
0x77: {  	v21 =	vmul.f32 v21, v20;
	_ =	sdelay $0x1  }
0x78: {  	v21 =	vsub.f32 $1.500000000e+00, v21;
	_ =	sdelay $0x1  }
0x79: {  	v20 =	vmul.f32 v21, v20;
	_ =	sdelay $0x1  }
0x7a: {  	v19 =	vmul.f32 v20, v19  }
0x7b: {  	v53 =	vand.u32 $0x80000000, v18;
	vm10 =	vlt.f32 v18, $0.0e+00;
	vm11 =	vgt.f32 v18, $0.0e+00  }
0x7c: {  	vm0 =	vmor vm11, vm10;
	v20 =	vor.u32 v53, v1;
	v19 =	vadd.f32 $-1.000000000e+00, v19  }
0x7d: {  	v20 =	vsel vm0, v20, v18  }
0x7e: {  	v18 =	vmul.f32 $1.000000050e-03, v18;
	v19 =	vmul.f32 v19, v20;
	_ =	sdelay $0x1  }
0x7f: {  	v18 =	vadd.f32 v19, v18;
	_ =	sdelay $0x1  }
0x80: {  	v18 =	vmax.f32 v18, $-3.000000000e+02  }
0x81: {  	v18 =	vmin.f32 v18, $3.000000000e+02  }
0x82: {  	v18 =	vadd.f32 $3.000000000e+02, v18;
	_ =	sdelay $0x1  }
0x83: {  	v19 =	vtrunc.f32 v18  }
0x84: {  	v19 =	vcvt.f32.s32 v19;
	_ =	sdelay $0x1  }
0x85: {  	vm12 =	vlt.s32 v19, $0x257  }
0x86: {  	v19 =	vnsel vm12, $0x257, v19  }
0x87: {  	v54 =	vcvt.s32.f32 v19;
	v55 =	vshll.u32 v19, $0x7  }
0x88: {  	v56 =	vor.u32 v6, v55  }
0x89: {  	v57 =	vadd.s32 v7, v55;
	v18 =	vsub.f32 v18, v54;
	_ =	sdelay $0x1  }
0x8a: {  	v58 =	vsub.f32 $1.000000000e+00, v18;
	_ =	sdelay $0x1  }
0x8b: {  	[tilespmem:v56+s7+$0x0] =	vst.idx.msk $0xffff, v58  }
0x8c: {  	[tilespmem:v57+s7+$0x0] =	vst.idx.msk $0xffff, v18  }
0x8d: {  	[tilespmem:$0x14100] =	vst v19  }
0x8e: {  	v18 =	vld [tilespmem:s13+$0xFFFFFFF0];
	_ =	sdelay $0x4  }
0x8f: {  	v19 =	vand.u32 $0x7FFFFFFF, v18  }
0x90: {  	v19 =	vadd.f32 $1.000000000e+00, v19;
	_ =	sdelay $0x1  }
0x91: {  	v59 =	vshra.s32 v19, $0x1;
	v60 =	vmul.f32 $5.000000000e-01, v19  }
0x92: {  	v20 =	vsub.s32 $0x5F3759DF, v59  }
0x93: {  	v61 =	vmul.f32 v20, v60;
	_ =	sdelay $0x1  }
0x94: {  	v22 =	vmul.f32 v20, v61;
	_ =	sdelay $0x1  }
0x95: {  	v22 =	vsub.f32 $1.500000000e+00, v22;
	_ =	sdelay $0x1  }
0x96: {  	v20 =	vmul.f32 v20, v22;
	_ =	sdelay $0x1  }
0x97: {  	v22 =	vmul.f32 v20, v60;
	_ =	sdelay $0x1  }
0x98: {  	v22 =	vmul.f32 v22, v20;
	_ =	sdelay $0x1  }
0x99: {  	v22 =	vsub.f32 $1.500000000e+00, v22;
	_ =	sdelay $0x1  }
0x9a: {  	v20 =	vmul.f32 v22, v20;
	_ =	sdelay $0x1  }
0x9b: {  	v21 =	vmul.f32 v20, v60;
	_ =	sdelay $0x1  }
0x9c: {  	v21 =	vmul.f32 v21, v20;
	_ =	sdelay $0x1  }
0x9d: {  	v21 =	vsub.f32 $1.500000000e+00, v21;
	_ =	sdelay $0x1  }
0x9e: {  	v20 =	vmul.f32 v21, v20;
	_ =	sdelay $0x1  }
0x9f: {  	v19 =	vmul.f32 v20, v19  }
0xa0: {  	v62 =	vand.u32 $0x80000000, v18;
	vm13 =	vlt.f32 v18, $0.0e+00;
	vm14 =	vgt.f32 v18, $0.0e+00  }
0xa1: {  	vm0 =	vmor vm14, vm13;
	v20 =	vor.u32 v62, v1;
	v19 =	vadd.f32 $-1.000000000e+00, v19  }
0xa2: {  	v20 =	vsel vm0, v20, v18  }
0xa3: {  	v18 =	vmul.f32 $1.000000050e-03, v18;
	v19 =	vmul.f32 v19, v20;
	_ =	sdelay $0x1  }
0xa4: {  	v18 =	vadd.f32 v19, v18;
	_ =	sdelay $0x1  }
0xa5: {  	v18 =	vmax.f32 v18, $-3.000000000e+02  }
0xa6: {  	v18 =	vmin.f32 v18, $3.000000000e+02  }
0xa7: {  	v18 =	vadd.f32 $3.000000000e+02, v18;
	_ =	sdelay $0x1  }
0xa8: {  	v19 =	vtrunc.f32 v18  }
0xa9: {  	v19 =	vcvt.f32.s32 v19;
	_ =	sdelay $0x1  }
0xaa: {  	vm15 =	vlt.s32 v19, $0x257  }
0xab: {  	v19 =	vnsel vm15, $0x257, v19  }
0xac: {  	v63 =	vcvt.s32.f32 v19;
	v24 =	vshll.u32 v19, $0x7  }
0xad: {  	v25 =	vor.u32 v8, v24  }
0xae: {  	v26 =	vadd.s32 v9, v24;
	v18 =	vsub.f32 v18, v63;
	_ =	sdelay $0x1  }
0xaf: {  	v27 =	vsub.f32 $1.000000000e+00, v18;
	_ =	sdelay $0x1  }
0xb0: {  	[tilespmem:v25+s7+$0x0] =	vst.idx.msk $0xffff, v27  }
0xb1: {  	[tilespmem:v26+s7+$0x0] =	vst.idx.msk $0xffff, v18  }
0xb2: {  	[tilespmem:$0x14180] =	vst v19  }
0xb3: {  	v18 =	vld [tilespmem:s13+$0x0];
	_ =	sdelay $0x4  }
0xb4: {  	v19 =	vand.u32 $0x7FFFFFFF, v18  }
0xb5: {  	v19 =	vadd.f32 $1.000000000e+00, v19;
	_ =	sdelay $0x1  }
0xb6: {  	v28 =	vshra.s32 v19, $0x1;
	v29 =	vmul.f32 $5.000000000e-01, v19  }
0xb7: {  	v20 =	vsub.s32 $0x5F3759DF, v28  }
0xb8: {  	v30 =	vmul.f32 v20, v29;
	_ =	sdelay $0x1  }
0xb9: {  	v22 =	vmul.f32 v20, v30;
	_ =	sdelay $0x1  }
0xba: {  	v22 =	vsub.f32 $1.500000000e+00, v22;
	_ =	sdelay $0x1  }
0xbb: {  	v20 =	vmul.f32 v20, v22;
	_ =	sdelay $0x1  }
0xbc: {  	v22 =	vmul.f32 v20, v29;
	_ =	sdelay $0x1  }
0xbd: {  	v22 =	vmul.f32 v22, v20;
	_ =	sdelay $0x1  }
0xbe: {  	v22 =	vsub.f32 $1.500000000e+00, v22;
	_ =	sdelay $0x1  }
0xbf: {  	v20 =	vmul.f32 v22, v20;
	_ =	sdelay $0x1  }
0xc0: {  	v21 =	vmul.f32 v20, v29;
	_ =	sdelay $0x1  }
0xc1: {  	v21 =	vmul.f32 v21, v20;
	_ =	sdelay $0x1  }
0xc2: {  	v21 =	vsub.f32 $1.500000000e+00, v21;
	_ =	sdelay $0x1  }
0xc3: {  	v20 =	vmul.f32 v21, v20;
	_ =	sdelay $0x1  }
0xc4: {  	v19 =	vmul.f32 v20, v19  }
0xc5: {  	v31 =	vand.u32 $0x80000000, v18;
	vm4 =	vlt.f32 v18, $0.0e+00;
	vm5 =	vgt.f32 v18, $0.0e+00  }
0xc6: {  	vm0 =	vmor vm5, vm4;
	v20 =	vor.u32 v31, v1;
	v19 =	vadd.f32 $-1.000000000e+00, v19  }
0xc7: {  	v20 =	vsel vm0, v20, v18  }
0xc8: {  	v18 =	vmul.f32 $1.000000050e-03, v18;
	v19 =	vmul.f32 v19, v20;
	_ =	sdelay $0x1  }
0xc9: {  	v18 =	vadd.f32 v19, v18;
	_ =	sdelay $0x1  }
0xca: {  	v18 =	vmax.f32 v18, $-3.000000000e+02  }
0xcb: {  	v18 =	vmin.f32 v18, $3.000000000e+02  }
0xcc: {  	v18 =	vadd.f32 $3.000000000e+02, v18;
	_ =	sdelay $0x1  }
0xcd: {  	v19 =	vtrunc.f32 v18  }
0xce: {  	v19 =	vcvt.f32.s32 v19;
	_ =	sdelay $0x1  }
0xcf: {  	vm6 =	vlt.s32 v19, $0x257  }
0xd0: {  	v19 =	vnsel vm6, $0x257, v19  }
0xd1: {  	v32 =	vcvt.s32.f32 v19;
	v33 =	vshll.u32 v19, $0x7  }
0xd2: {  	v34 =	vor.u32 v10, v33  }
0xd3: {  	v35 =	vadd.s32 v11, v33;
	v18 =	vsub.f32 v18, v32;
	_ =	sdelay $0x1  }
0xd4: {  	v36 =	vsub.f32 $1.000000000e+00, v18;
	_ =	sdelay $0x1  }
0xd5: {  	[tilespmem:v34+s7+$0x0] =	vst.idx.msk $0xffff, v36  }
0xd6: {  	[tilespmem:v35+s7+$0x0] =	vst.idx.msk $0xffff, v18  }
0xd7: {  	[tilespmem:$0x14200] =	vst v19  }
0xd8: {  	v18 =	vld [tilespmem:s13+$0x10];
	_ =	sdelay $0x4  }
0xd9: {  	v19 =	vand.u32 $0x7FFFFFFF, v18  }
0xda: {  	v19 =	vadd.f32 $1.000000000e+00, v19;
	_ =	sdelay $0x1  }
0xdb: {  	v37 =	vshra.s32 v19, $0x1;
	v38 =	vmul.f32 $5.000000000e-01, v19  }
0xdc: {  	v20 =	vsub.s32 $0x5F3759DF, v37  }
0xdd: {  	v39 =	vmul.f32 v20, v38;
	_ =	sdelay $0x1  }
0xde: {  	v22 =	vmul.f32 v20, v39;
	_ =	sdelay $0x1  }
0xdf: {  	v22 =	vsub.f32 $1.500000000e+00, v22;
	_ =	sdelay $0x1  }
0xe0: {  	v20 =	vmul.f32 v20, v22;
	_ =	sdelay $0x1  }
0xe1: {  	v22 =	vmul.f32 v20, v38;
	_ =	sdelay $0x1  }
0xe2: {  	v22 =	vmul.f32 v22, v20;
	_ =	sdelay $0x1  }
0xe3: {  	v22 =	vsub.f32 $1.500000000e+00, v22;
	_ =	sdelay $0x1  }
0xe4: {  	v20 =	vmul.f32 v22, v20;
	_ =	sdelay $0x1  }
0xe5: {  	v21 =	vmul.f32 v20, v38;
	_ =	sdelay $0x1  }
0xe6: {  	v21 =	vmul.f32 v21, v20;
	_ =	sdelay $0x1  }
0xe7: {  	v21 =	vsub.f32 $1.500000000e+00, v21;
	_ =	sdelay $0x1  }
0xe8: {  	v20 =	vmul.f32 v21, v20;
	_ =	sdelay $0x1  }
0xe9: {  	v19 =	vmul.f32 v20, v19  }
0xea: {  	v40 =	vand.u32 $0x80000000, v18;
	vm7 =	vlt.f32 v18, $0.0e+00;
	vm8 =	vgt.f32 v18, $0.0e+00  }
0xeb: {  	vm0 =	vmor vm8, vm7;
	v20 =	vor.u32 v40, v1;
	v19 =	vadd.f32 $-1.000000000e+00, v19  }
0xec: {  	v20 =	vsel vm0, v20, v18  }
0xed: {  	v18 =	vmul.f32 $1.000000050e-03, v18;
	v19 =	vmul.f32 v19, v20;
	_ =	sdelay $0x1  }
0xee: {  	v18 =	vadd.f32 v19, v18;
	_ =	sdelay $0x1  }
0xef: {  	v18 =	vmax.f32 v18, $-3.000000000e+02  }
0xf0: {  	v18 =	vmin.f32 v18, $3.000000000e+02  }
0xf1: {  	v18 =	vadd.f32 $3.000000000e+02, v18;
	_ =	sdelay $0x1  }
0xf2: {  	v19 =	vtrunc.f32 v18  }
0xf3: {  	v19 =	vcvt.f32.s32 v19;
	_ =	sdelay $0x1  }
0xf4: {  	vm9 =	vlt.s32 v19, $0x257  }
0xf5: {  	v19 =	vnsel vm9, $0x257, v19  }
0xf6: {  	v41 =	vcvt.s32.f32 v19;
	v42 =	vshll.u32 v19, $0x7  }
0xf7: {  	v43 =	vor.u32 v12, v42  }
0xf8: {  	v44 =	vadd.s32 v13, v42;
	v18 =	vsub.f32 v18, v41;
	_ =	sdelay $0x1  }
0xf9: {  	v45 =	vsub.f32 $1.000000000e+00, v18;
	_ =	sdelay $0x1  }
0xfa: {  	[tilespmem:v43+s7+$0x0] =	vst.idx.msk $0xffff, v45  }
0xfb: {  	[tilespmem:v44+s7+$0x0] =	vst.idx.msk $0xffff, v18  }
0xfc: {  	[tilespmem:$0x14280] =	vst v19  }
0xfd: {  	v18 =	vld [tilespmem:s13+$0x20];
	_ =	sdelay $0x4  }
0xfe: {  	v19 =	vand.u32 $0x7FFFFFFF, v18  }
0xff: {  	v19 =	vadd.f32 $1.000000000e+00, v19;
	_ =	sdelay $0x1  }
0x100: {  	v46 =	vshra.s32 v19, $0x1;
	v47 =	vmul.f32 $5.000000000e-01, v19  }
0x101: {  	v20 =	vsub.s32 $0x5F3759DF, v46  }
0x102: {  	v48 =	vmul.f32 v20, v47;
	_ =	sdelay $0x1  }
0x103: {  	v22 =	vmul.f32 v20, v48;
	_ =	sdelay $0x1  }
0x104: {  	v22 =	vsub.f32 $1.500000000e+00, v22;
	_ =	sdelay $0x1  }
0x105: {  	v20 =	vmul.f32 v20, v22;
	_ =	sdelay $0x1  }
0x106: {  	v22 =	vmul.f32 v20, v47;
	_ =	sdelay $0x1  }
0x107: {  	v22 =	vmul.f32 v22, v20;
	_ =	sdelay $0x1  }
0x108: {  	v22 =	vsub.f32 $1.500000000e+00, v22;
	_ =	sdelay $0x1  }
0x109: {  	v20 =	vmul.f32 v22, v20;
	_ =	sdelay $0x1  }
0x10a: {  	v21 =	vmul.f32 v20, v47;
	_ =	sdelay $0x1  }
0x10b: {  	v21 =	vmul.f32 v21, v20;
	_ =	sdelay $0x1  }
0x10c: {  	v21 =	vsub.f32 $1.500000000e+00, v21;
	_ =	sdelay $0x1  }
0x10d: {  	v20 =	vmul.f32 v21, v20;
	_ =	sdelay $0x1  }
0x10e: {  	v19 =	vmul.f32 v20, v19  }
0x10f: {  	v49 =	vand.u32 $0x80000000, v18;
	vm10 =	vlt.f32 v18, $0.0e+00;
	vm11 =	vgt.f32 v18, $0.0e+00  }
0x110: {  	vm0 =	vmor vm11, vm10;
	v20 =	vor.u32 v49, v1;
	v19 =	vadd.f32 $-1.000000000e+00, v19  }
0x111: {  	v20 =	vsel vm0, v20, v18  }
0x112: {  	v18 =	vmul.f32 $1.000000050e-03, v18;
	v19 =	vmul.f32 v19, v20;
	_ =	sdelay $0x1  }
0x113: {  	v18 =	vadd.f32 v19, v18;
	_ =	sdelay $0x1  }
0x114: {  	v18 =	vmax.f32 v18, $-3.000000000e+02  }
0x115: {  	v18 =	vmin.f32 v18, $3.000000000e+02  }
0x116: {  	v18 =	vadd.f32 $3.000000000e+02, v18;
	_ =	sdelay $0x1  }
0x117: {  	v19 =	vtrunc.f32 v18  }
0x118: {  	v19 =	vcvt.f32.s32 v19;
	_ =	sdelay $0x1  }
0x119: {  	vm12 =	vlt.s32 v19, $0x257  }
0x11a: {  	v19 =	vnsel vm12, $0x257, v19  }
0x11b: {  	v50 =	vcvt.s32.f32 v19;
	v51 =	vshll.u32 v19, $0x7  }
0x11c: {  	v52 =	vor.u32 v14, v51  }
0x11d: {  	v53 =	vadd.s32 v15, v51;
	v18 =	vsub.f32 v18, v50;
	_ =	sdelay $0x1  }
0x11e: {  	v54 =	vsub.f32 $1.000000000e+00, v18;
	_ =	sdelay $0x1  }
0x11f: {  	[tilespmem:v52+s7+$0x0] =	vst.idx.msk $0xffff, v54  }
0x120: {  	[tilespmem:v53+s7+$0x0] =	vst.idx.msk $0xffff, v18  }
0x121: {  	[tilespmem:$0x14300] =	vst v19  }
0x122: {  	v18 =	vld [tilespmem:s13+$0x30];
	_ =	sdelay $0x4  }
0x123: {  	v19 =	vand.u32 $0x7FFFFFFF, v18  }
0x124: {  	v19 =	vadd.f32 $1.000000000e+00, v19;
	_ =	sdelay $0x1  }
0x125: {  	v55 =	vshra.s32 v19, $0x1;
	v56 =	vmul.f32 $5.000000000e-01, v19  }
0x126: {  	v20 =	vsub.s32 $0x5F3759DF, v55  }
0x127: {  	v57 =	vmul.f32 v20, v56;
	_ =	sdelay $0x1  }
0x128: {  	v22 =	vmul.f32 v20, v57;
	_ =	sdelay $0x1  }
0x129: {  	v22 =	vsub.f32 $1.500000000e+00, v22;
	_ =	sdelay $0x1  }
0x12a: {  	v20 =	vmul.f32 v20, v22;
	_ =	sdelay $0x1  }
0x12b: {  	v22 =	vmul.f32 v20, v56;
	_ =	sdelay $0x1  }
0x12c: {  	v22 =	vmul.f32 v22, v20;
	_ =	sdelay $0x1  }
0x12d: {  	v22 =	vsub.f32 $1.500000000e+00, v22;
	_ =	sdelay $0x1  }
0x12e: {  	v20 =	vmul.f32 v22, v20;
	_ =	sdelay $0x1  }
0x12f: {  	v21 =	vmul.f32 v20, v56;
	_ =	sdelay $0x1  }
0x130: {  	v21 =	vmul.f32 v21, v20;
	_ =	sdelay $0x1  }
0x131: {  	v21 =	vsub.f32 $1.500000000e+00, v21;
	_ =	sdelay $0x1  }
0x132: {  	v20 =	vmul.f32 v21, v20;
	_ =	sdelay $0x1  }
0x133: {  	v19 =	vmul.f32 v20, v19  }
0x134: {  	v58 =	vand.u32 $0x80000000, v18;
	vm13 =	vlt.f32 v18, $0.0e+00;
	vm14 =	vgt.f32 v18, $0.0e+00  }
0x135: {  	vm0 =	vmor vm14, vm13;
	v20 =	vor.u32 v58, v1;
	v19 =	vadd.f32 $-1.000000000e+00, v19  }
0x136: {  	v20 =	vsel vm0, v20, v18  }
0x137: {  	v18 =	vmul.f32 $1.000000050e-03, v18;
	v19 =	vmul.f32 v19, v20;
	_ =	sdelay $0x1  }
0x138: {  	v18 =	vadd.f32 v19, v18;
	_ =	sdelay $0x1  }
0x139: {  	v18 =	vmax.f32 v18, $-3.000000000e+02  }
0x13a: {  	v18 =	vmin.f32 v18, $3.000000000e+02  }
0x13b: {  	v18 =	vadd.f32 $3.000000000e+02, v18;
	_ =	sdelay $0x1  }
0x13c: {  	v19 =	vtrunc.f32 v18  }
0x13d: {  	v19 =	vcvt.f32.s32 v19;
	_ =	sdelay $0x1  }
0x13e: {  	vm15 =	vlt.s32 v19, $0x257  }
0x13f: {  	v19 =	vnsel vm15, $0x257, v19  }
0x140: {  	v59 =	vcvt.s32.f32 v19;
	v60 =	vshll.u32 v19, $0x7  }
0x141: {  	v61 =	vor.u32 v16, v60  }
0x142: {  	v62 =	vadd.s32 v17, v60;
	v18 =	vsub.f32 v18, v59;
	_ =	sdelay $0x1  }
0x143: {  	v63 =	vsub.f32 $1.000000000e+00, v18;
	_ =	sdelay $0x1  }
0x144: {  	[tilespmem:v61+s7+$0x0] =	vst.idx.msk $0xffff, v63  }
0x145: {  	[tilespmem:v62+s7+$0x0] =	vst.idx.msk $0xffff, v18  }
0x146: {  	s14 =	sadd.s32 s12, s5;
	[tilespmem:$0x14380] =	vst v19  }
0x147: {  	[hbm4b:s14+s8] =	stream.strided.scatter [tilespmem:s7], [sflag:$0x1], $0x12C00, s9, s8, $0x38;
	[tilespmem:$0x14400] =	vst v63  }
0x148: {  	s14 =	sadd.s32 $0x960000, s14  }
0x149: {  	[hbm4b:s14+s2] =	stream.linear.scatter [tilespmem:s10], [sflag:$0x1], $0x80, $0x38;
	[tilespmem:$0x14400] =	vst v63  }
0x14a: {  	_ =	swait.ge [sflag:s6], $0x12C80  }
0x14b: {  	[sflag:s6] =	ssyncset.done $0x0  }
0x14c: {  	[sflag:s6] =	ssyncadd.s32 $0xFFFED380  }
0x14d: {  	v18 =	vld [tilespmem:$0x14000];
	_ =	sdelay $0x4  }
0x14e: {  	v18 =	vshll.u32 v18, $0x7  }
0x14f: {  	v19 =	vor.u32 v2, v18  }
0x150: {  	v18 =	vadd.s32 v3, v18;
	_ =	sdelay $0x3  }
0x151: {  	[tilespmem:v19+s7+$0x0] =	vst.idx.msk $0xffff, v0  }
0x152: {  	[tilespmem:v18+s7+$0x0] =	vst.idx.msk $0xffff, v0  }
0x153: {  	v18 =	vld [tilespmem:$0x14080];
	_ =	sdelay $0x4  }
0x154: {  	v18 =	vshll.u32 v18, $0x7  }
0x155: {  	v19 =	vor.u32 v4, v18  }
0x156: {  	v18 =	vadd.s32 v5, v18;
	_ =	sdelay $0x3  }
0x157: {  	[tilespmem:v19+s7+$0x0] =	vst.idx.msk $0xffff, v0  }
0x158: {  	[tilespmem:v18+s7+$0x0] =	vst.idx.msk $0xffff, v0  }
0x159: {  	v18 =	vld [tilespmem:$0x14100];
	_ =	sdelay $0x4  }
0x15a: {  	v18 =	vshll.u32 v18, $0x7  }
0x15b: {  	v19 =	vor.u32 v6, v18  }
0x15c: {  	v18 =	vadd.s32 v7, v18;
	_ =	sdelay $0x3  }
0x15d: {  	[tilespmem:v19+s7+$0x0] =	vst.idx.msk $0xffff, v0  }
0x15e: {  	[tilespmem:v18+s7+$0x0] =	vst.idx.msk $0xffff, v0  }
0x15f: {  	v18 =	vld [tilespmem:$0x14180];
	_ =	sdelay $0x4  }
0x160: {  	v18 =	vshll.u32 v18, $0x7  }
0x161: {  	v19 =	vor.u32 v8, v18  }
0x162: {  	v18 =	vadd.s32 v9, v18;
	_ =	sdelay $0x3  }
0x163: {  	[tilespmem:v19+s7+$0x0] =	vst.idx.msk $0xffff, v0  }
0x164: {  	[tilespmem:v18+s7+$0x0] =	vst.idx.msk $0xffff, v0  }
0x165: {  	v18 =	vld [tilespmem:$0x14200];
	_ =	sdelay $0x4  }
0x166: {  	v18 =	vshll.u32 v18, $0x7  }
0x167: {  	v19 =	vor.u32 v10, v18  }
0x168: {  	v18 =	vadd.s32 v11, v18;
	_ =	sdelay $0x3  }
0x169: {  	[tilespmem:v19+s7+$0x0] =	vst.idx.msk $0xffff, v0  }
0x16a: {  	[tilespmem:v18+s7+$0x0] =	vst.idx.msk $0xffff, v0  }
0x16b: {  	v18 =	vld [tilespmem:$0x14280];
	_ =	sdelay $0x4  }
0x16c: {  	v18 =	vshll.u32 v18, $0x7  }
0x16d: {  	v19 =	vor.u32 v12, v18  }
0x16e: {  	v18 =	vadd.s32 v13, v18;
	_ =	sdelay $0x3  }
0x16f: {  	[tilespmem:v19+s7+$0x0] =	vst.idx.msk $0xffff, v0  }
0x170: {  	[tilespmem:v18+s7+$0x0] =	vst.idx.msk $0xffff, v0  }
0x171: {  	v18 =	vld [tilespmem:$0x14300];
	_ =	sdelay $0x4  }
0x172: {  	v18 =	vshll.u32 v18, $0x7  }
0x173: {  	v19 =	vor.u32 v14, v18  }
0x174: {  	v18 =	vadd.s32 v15, v18;
	_ =	sdelay $0x3  }
0x175: {  	[tilespmem:v19+s7+$0x0] =	vst.idx.msk $0xffff, v0  }
0x176: {  	[tilespmem:v18+s7+$0x0] =	vst.idx.msk $0xffff, v0  }
0x177: {  	v18 =	vld [tilespmem:$0x14380];
	_ =	sdelay $0x4  }
0x178: {  	v18 =	vshll.u32 v18, $0x7  }
0x179: {  	v19 =	vor.u32 v16, v18  }
0x17a: {  	p0 =	sne.s32 s12, $0xF80;
	v18 =	vadd.s32 v17, v18  }
.Ltmp1:
0x17b: {  	_ = 	snop;
	(pc) =	sbr.rel @p0 .LBB2_4-.Ltmp1, $3  }
0x17c: {  	_ =	sdelay $0x1  }
0x17d: {  	[tilespmem:v19+s7+$0x0] =	vst.idx.msk $0xffff, v0  }
0x17e: {  	s12 =	sadd.s32 $0x80, s12;
	s13 =	sadd.s32 $0x80, s13;
	[tilespmem:v18+s7+$0x0] =	vst.idx.msk $0xffff, v0  }
0x17f: {  	s11 =	sadd.s32 $0x1, s11  }
0x180: {  	p0 =	sne.s32 s11, s4  }
.Ltmp2:
0x181: {  	_ = 	snop;
	(pc) =	sbr.rel @p0 .LBB2_1-.Ltmp2, $1  }
0x182: {  	_ =	sdelay $0x3  }
0x183: {  	_ =	sfence.sel $0x180000  }
0x184: {  	[bflag:$0x0] =	sbarrier.arrive $0xFFFF  }
0x185: {  	p0 =	sne.s32 s1, $0x0;
	_ =	strace $0x90000047  }
0x186: {  	s0 =	sadd.s32 @!p0 $0x100000, s0;
	[bflag:$0x2] =	sbarrier.arrive $0xFFFF  }
0x187: {  	[sflag:s0] =	ssyncadd.tile.s32 @!p0 $0x1;
	_ =	shalt  }
.Lfunc_end2:
_tile_overlayer_lowered:
.L_overlay_start_2:
0x188: {  	(tag) =	ssettag $0x2  }
0x189: {  	s0 =	rddreg [dreg:$0x0];
	s2 =	stileid.u32  }
0x18a: {  	s1 =	rddreg [dreg:$0x1];
	p0 =	sne.s32 s2, $0x0  }
0x18b: {  	s3 =	rddreg [dreg:$0x2];
	[bflag:$0x3] =	sbarrier.arrive $0xFFFF;
	s2 =	simm.s32 @!p0 $0x1C01  }
0x18c: {  	[timem:s3], [sflag:s2] =	dma.local @!p0 [hbm:s0], s1  }
0x18d: {  	s0 =	simm.s32 @!p0 $0x1  }
0x18e: {  	_ =	swait.ge @!p0 [sflag:s0], s1  }
0x18f: {  	s1 =	ssub.s32 @!p0 $0x0, s1;
	[sflag:s0] =	ssyncset.done @!p0 $0x0  }
0x190: {  	[sflag:s0] =	ssyncadd.s32 @!p0 s1  }
0x191: {  	[bflag:$0x3] =	sbarrier.arrive $0xFFFF  }
0x192: {  	_ =	shalt  }

</sc_bundles>
